<compile_context>
chip_gen: v7x
topology: tpu7x:2x2x1
jax: 0.10.2.dev20260603
libtpu: 0.0.44.dev20260713+nightly
codegen_flags: <defaults>
</compile_context>

<pallas_src>
import functools

import jax
import jax.numpy as jnp
from jax import lax
from jax.experimental import pallas as pl
from jax.experimental.pallas import tpu as pltpu
from jax.experimental.pallas import tpu_sc as plsc

_B = 200000
_D = 256
_C = 40
_NC = 2
_NS = 16
_NW = _NC * _NS
_PER_W = _B // _NW
_IMAX = 6256
_NBUF = 12
_NFULL = 156
_NTOT = _NFULL + 1


@jax.jit
def _sc_gather(features, idx):
    mesh = plsc.VectorSubcoreMesh(core_axis_name="c", subcore_axis_name="s")

    @functools.partial(
        pl.kernel,
        mesh=mesh,
        out_type=jax.ShapeDtypeStruct((_B, _D), jnp.float32),
        scratch_types=(
            [pltpu.VMEM((_IMAX,), jnp.int32)]
            + [pltpu.VMEM((_C, _D), jnp.float32)] * _NBUF
            + [pltpu.SemaphoreType.DMA] * (2 * _NBUF)
        ),
    )
    def k(feat_hbm, idx_hbm, out_hbm, idx_v, *bufs):
        rows = bufs[:_NBUF]
        gsem = bufs[_NBUF:2 * _NBUF]
        ssem = bufs[2 * _NBUF:]
        wid = lax.axis_index("s") * _NC + lax.axis_index("c")
        start = pl.multiple_of((wid * _PER_W) & ~7, 8)
        cnt = (((wid + 1) * _PER_W) & ~7) - start

        pltpu.sync_copy(idx_hbm.at[pl.ds(start, _IMAX)], idx_v)

        def off_of(j):
            return pl.multiple_of(jnp.where(j < _NFULL, j * _C, cnt - _C), 8)

        def gather_copy(j, b):
            return pltpu.make_async_copy(
                feat_hbm.at[idx_v.at[pl.ds(off_of(j), _C)]], rows[b], gsem[b])

        def store_copy(j, b):
            return pltpu.make_async_copy(
                rows[b], out_hbm.at[pl.ds(start + off_of(j), _C)], ssem[b])

        for b in range(_NBUF):
            gather_copy(b, b).start()

        def body(io, carry):
            for b in range(_NBUF):
                j = _NBUF * io + b

                @pl.when(j < _NTOT)
                def _():
                    gather_copy(j, b).wait()
                    store_copy(j, b).start()
                    store_copy(j, b).wait()

                    @pl.when(j + _NBUF < _NTOT)
                    def _():
                        gather_copy(j + _NBUF, b).start()

            return carry

        lax.fori_loop(0, (_NTOT + _NBUF - 1) // _NBUF, body, 0)

    return k(features, idx)


def kernel(features, indices):
    idx = indices.reshape(-1).astype(jnp.int32)
    return _sc_gather(features, idx)

# --- scband reference (transcript-rebuilt; emitter-appended) ---
"""Pipeline reference for scband-nearest-upsample-13589276524752 (READ-ONLY COPY).

The authoritative reference and input builder live on the scoring server;
editing this copy changes nothing except your own understanding.
"""

import jax, jax.numpy as jnp
import numpy as np


def setup_inputs(seed: int = 0) -> dict:
    key = jax.random.key(seed)
    k1, k2 = jax.random.split(key)
    features = jax.random.normal(k1, (50000, 256), dtype=jnp.float32)
    indices = jax.random.randint(k2, (200000, 1), 0, 50000, dtype=jnp.int64 if jax.config.jax_enable_x64 else jnp.int32)
    return {"features": features, "indices": indices}


def reference(features, indices):
    # _closest_pool: append a zero 'shadow' row so index == N maps to zeros,
    # then gather rows by the first upsample neighbor index.
    feats = jnp.concatenate([features, jnp.zeros_like(features[:1, :])], axis=0)
    idx = indices[:, 0]
    # torch gather with expanded indices over dim 0 == row gather
    return jnp.take(feats, idx, axis=0)

if __name__ == "__main__":
    import jax
    _d = setup_inputs()
    print(jax.jit(kernel)(*tuple(_d.values())))

</pallas_src>

<mosaic_0001>
#map = affine_map<(d0, d1) -> (0, 0)>
#map1 = affine_map<(d0, d1) -> (0)>
module attributes {stable_mosaic.version = 14 : i64} {
  func.func @k(%arg0: i32, %arg1: i32, %arg2: memref<50000x256xf32, #tpu.memory_space<hbm>>, %arg3: memref<200000xi32, #tpu.memory_space<hbm>>, %arg4: memref<200000x256xf32, #tpu.memory_space<hbm>>, %arg5: memref<6256xi32, #tpu.memory_space<vmem>>, %arg6: memref<40x256xf32, #tpu.memory_space<vmem>>, %arg7: memref<40x256xf32, #tpu.memory_space<vmem>>, %arg8: memref<40x256xf32, #tpu.memory_space<vmem>>, %arg9: memref<40x256xf32, #tpu.memory_space<vmem>>, %arg10: memref<40x256xf32, #tpu.memory_space<vmem>>, %arg11: memref<40x256xf32, #tpu.memory_space<vmem>>, %arg12: memref<40x256xf32, #tpu.memory_space<vmem>>, %arg13: memref<40x256xf32, #tpu.memory_space<vmem>>, %arg14: memref<40x256xf32, #tpu.memory_space<vmem>>, %arg15: memref<40x256xf32, #tpu.memory_space<vmem>>, %arg16: memref<40x256xf32, #tpu.memory_space<vmem>>, %arg17: memref<40x256xf32, #tpu.memory_space<vmem>>, %arg18: memref<!tpu.dma_semaphore, #tpu.memory_space<semaphore_mem>>, %arg19: memref<!tpu.dma_semaphore, #tpu.memory_space<semaphore_mem>>, %arg20: memref<!tpu.dma_semaphore, #tpu.memory_space<semaphore_mem>>, %arg21: memref<!tpu.dma_semaphore, #tpu.memory_space<semaphore_mem>>, %arg22: memref<!tpu.dma_semaphore, #tpu.memory_space<semaphore_mem>>, %arg23: memref<!tpu.dma_semaphore, #tpu.memory_space<semaphore_mem>>, %arg24: memref<!tpu.dma_semaphore, #tpu.memory_space<semaphore_mem>>, %arg25: memref<!tpu.dma_semaphore, #tpu.memory_space<semaphore_mem>>, %arg26: memref<!tpu.dma_semaphore, #tpu.memory_space<semaphore_mem>>, %arg27: memref<!tpu.dma_semaphore, #tpu.memory_space<semaphore_mem>>, %arg28: memref<!tpu.dma_semaphore, #tpu.memory_space<semaphore_mem>>, %arg29: memref<!tpu.dma_semaphore, #tpu.memory_space<semaphore_mem>>, %arg30: memref<!tpu.dma_semaphore, #tpu.memory_space<semaphore_mem>>, %arg31: memref<!tpu.dma_semaphore, #tpu.memory_space<semaphore_mem>>, %arg32: memref<!tpu.dma_semaphore, #tpu.memory_space<semaphore_mem>>, %arg33: memref<!tpu.dma_semaphore, #tpu.memory_space<semaphore_mem>>, %arg34: memref<!tpu.dma_semaphore, #tpu.memory_space<semaphore_mem>>, %arg35: memref<!tpu.dma_semaphore, #tpu.memory_space<semaphore_mem>>, %arg36: memref<!tpu.dma_semaphore, #tpu.memory_space<semaphore_mem>>, %arg37: memref<!tpu.dma_semaphore, #tpu.memory_space<semaphore_mem>>, %arg38: memref<!tpu.dma_semaphore, #tpu.memory_space<semaphore_mem>>, %arg39: memref<!tpu.dma_semaphore, #tpu.memory_space<semaphore_mem>>, %arg40: memref<!tpu.dma_semaphore, #tpu.memory_space<semaphore_mem>>, %arg41: memref<!tpu.dma_semaphore, #tpu.memory_space<semaphore_mem>>) attributes {dimension_semantics = [#tpu.dimension_semantics<core_parallel>, #tpu.dimension_semantics<subcore_parallel>], iteration_bounds = array<i64: 2, 16>, scalar_prefetch = 0 : i64, scratch_operands = 37 : i64, tpu.core_type = #tpu.core_type<sc_vector_subcore>, window_params = [{transform_indices = #map}, {transform_indices = #map1}, {transform_indices = #map}]} {
    %mul3A = arith.constant 2 : i32
    %mul3A_0 = arith.muli %arg1, %mul3A : i32
    %add3A = arith.addi %mul3A_0, %arg0 : i32
    %mul3A_1 = arith.constant 6250 : i32
    %mul3A_2 = arith.muli %add3A, %mul3A_1 : i32
    %and3A = arith.constant -8 : i32
    %and3A_3 = arith.andi %mul3A_2, %and3A : i32
    %multiple_of3A = tpu.assume_multiple %and3A_3, 8 : i32
    %add3A_4 = arith.constant 1 : i32
    %add3A_5 = arith.addi %add3A, %add3A_4 : i32
    %mul3A_6 = arith.constant 6250 : i32
    %mul3A_7 = arith.muli %add3A_5, %mul3A_6 : i32
    %and3A_8 = arith.constant -8 : i32
    %and3A_9 = arith.andi %mul3A_7, %and3A_8 : i32
    %sub3A = arith.subi %and3A_9, %multiple_of3A : i32
    "tpu.region"() ({
      %run_scoped3A = tpu.sem_alloc : memref<!tpu.dma_semaphore, #tpu.memory_space<semaphore_mem>>
      %dma_start3A_132 = tpu.memref_slice %arg3[%multiple_of3A] : memref<200000xi32, #tpu.memory_space<hbm>> -> memref<6256xi32, #tpu.memory_space<hbm>>
      %dma_start3A_133 = tpu.memref_slice %arg3[%multiple_of3A] : memref<200000xi32, #tpu.memory_space<hbm>> -> memref<6256xi32, #tpu.memory_space<hbm>>
      tpu.enqueue_dma source(%dma_start3A_133 : memref<6256xi32, #tpu.memory_space<hbm>>) target(%arg5 : memref<6256xi32, #tpu.memory_space<vmem>>) target_semaphore(%run_scoped3A : memref<!tpu.dma_semaphore, #tpu.memory_space<semaphore_mem>>)
      %dma_wait3A = tpu.memref_slice %arg3[%multiple_of3A] : memref<200000xi32, #tpu.memory_space<hbm>> -> memref<6256xi32, #tpu.memory_space<hbm>>
      %dma_wait3A_134 = tpu.memref_slice %arg3[%multiple_of3A] : memref<200000xi32, #tpu.memory_space<hbm>> -> memref<6256xi32, #tpu.memory_space<hbm>>
      tpu.wait_dma2 semaphore(%run_scoped3A : memref<!tpu.dma_semaphore, #tpu.memory_space<semaphore_mem>>) src(%dma_wait3A_134 : memref<6256xi32, #tpu.memory_space<hbm>>) dst(%arg5 : memref<6256xi32, #tpu.memory_space<vmem>>)
      tpu.yield
    }) : () -> ()
    %sub3A_10 = arith.constant 40 : i32
    %sub3A_11 = arith.subi %sub3A, %sub3A_10 : i32
    %jit3A = arith.constant true
    %jit3A_12 = arith.constant 0 : i32
    %select_n3A = arith.select %jit3A, %jit3A_12, %sub3A_11 : i32
    %multiple_of3A_13 = tpu.assume_multiple %select_n3A, 8 : i32
    %dma_start3A = tpu.memref_slice %arg5[%multiple_of3A_13] : memref<6256xi32, #tpu.memory_space<vmem>> -> memref<40xi32, #tpu.memory_space<vmem>>
    %dma_start3A_14 = arith.constant 0 : i32
    %dma_start3A_15 = arith.constant 0 : i32
    %dma_start3A_16 = tpu.memref_slice %arg2[%dma_start3A_14, %dma_start3A_15] : memref<50000x256xf32, #tpu.memory_space<hbm>> -> memref<50000x256xf32, #tpu.memory_space<hbm>>
    tpu.enqueue_indirect_dma source(%dma_start3A_16 : memref<50000x256xf32, #tpu.memory_space<hbm>>) target(%arg6 : memref<40x256xf32, #tpu.memory_space<vmem>>) offsets(%dma_start3A : memref<40xi32, #tpu.memory_space<vmem>>) semaphore(%arg18 : memref<!tpu.dma_semaphore, #tpu.memory_space<semaphore_mem>>)
    %sub3A_17 = arith.constant 40 : i32
    %sub3A_18 = arith.subi %sub3A, %sub3A_17 : i32
    %jit3A_19 = arith.constant true
    %jit3A_20 = arith.constant 40 : i32
    %select_n3A_21 = arith.select %jit3A_19, %jit3A_20, %sub3A_18 : i32
    %multiple_of3A_22 = tpu.assume_multiple %select_n3A_21, 8 : i32
    %dma_start3A_23 = tpu.memref_slice %arg5[%multiple_of3A_22] : memref<6256xi32, #tpu.memory_space<vmem>> -> memref<40xi32, #tpu.memory_space<vmem>>
    %dma_start3A_24 = arith.constant 0 : i32
    %dma_start3A_25 = arith.constant 0 : i32
    %dma_start3A_26 = tpu.memref_slice %arg2[%dma_start3A_24, %dma_start3A_25] : memref<50000x256xf32, #tpu.memory_space<hbm>> -> memref<50000x256xf32, #tpu.memory_space<hbm>>
    tpu.enqueue_indirect_dma source(%dma_start3A_26 : memref<50000x256xf32, #tpu.memory_space<hbm>>) target(%arg7 : memref<40x256xf32, #tpu.memory_space<vmem>>) offsets(%dma_start3A_23 : memref<40xi32, #tpu.memory_space<vmem>>) semaphore(%arg19 : memref<!tpu.dma_semaphore, #tpu.memory_space<semaphore_mem>>)
    %sub3A_27 = arith.constant 40 : i32
    %sub3A_28 = arith.subi %sub3A, %sub3A_27 : i32
    %jit3A_29 = arith.constant true
    %jit3A_30 = arith.constant 80 : i32
    %select_n3A_31 = arith.select %jit3A_29, %jit3A_30, %sub3A_28 : i32
    %multiple_of3A_32 = tpu.assume_multiple %select_n3A_31, 8 : i32
    %dma_start3A_33 = tpu.memref_slice %arg5[%multiple_of3A_32] : memref<6256xi32, #tpu.memory_space<vmem>> -> memref<40xi32, #tpu.memory_space<vmem>>
    %dma_start3A_34 = arith.constant 0 : i32
    %dma_start3A_35 = arith.constant 0 : i32
    %dma_start3A_36 = tpu.memref_slice %arg2[%dma_start3A_34, %dma_start3A_35] : memref<50000x256xf32, #tpu.memory_space<hbm>> -> memref<50000x256xf32, #tpu.memory_space<hbm>>
    tpu.enqueue_indirect_dma source(%dma_start3A_36 : memref<50000x256xf32, #tpu.memory_space<hbm>>) target(%arg8 : memref<40x256xf32, #tpu.memory_space<vmem>>) offsets(%dma_start3A_33 : memref<40xi32, #tpu.memory_space<vmem>>) semaphore(%arg20 : memref<!tpu.dma_semaphore, #tpu.memory_space<semaphore_mem>>)
    %sub3A_37 = arith.constant 40 : i32
    %sub3A_38 = arith.subi %sub3A, %sub3A_37 : i32
    %jit3A_39 = arith.constant true
    %jit3A_40 = arith.constant 120 : i32
    %select_n3A_41 = arith.select %jit3A_39, %jit3A_40, %sub3A_38 : i32
    %multiple_of3A_42 = tpu.assume_multiple %select_n3A_41, 8 : i32
    %dma_start3A_43 = tpu.memref_slice %arg5[%multiple_of3A_42] : memref<6256xi32, #tpu.memory_space<vmem>> -> memref<40xi32, #tpu.memory_space<vmem>>
    %dma_start3A_44 = arith.constant 0 : i32
    %dma_start3A_45 = arith.constant 0 : i32
    %dma_start3A_46 = tpu.memref_slice %arg2[%dma_start3A_44, %dma_start3A_45] : memref<50000x256xf32, #tpu.memory_space<hbm>> -> memref<50000x256xf32, #tpu.memory_space<hbm>>
    tpu.enqueue_indirect_dma source(%dma_start3A_46 : memref<50000x256xf32, #tpu.memory_space<hbm>>) target(%arg9 : memref<40x256xf32, #tpu.memory_space<vmem>>) offsets(%dma_start3A_43 : memref<40xi32, #tpu.memory_space<vmem>>) semaphore(%arg21 : memref<!tpu.dma_semaphore, #tpu.memory_space<semaphore_mem>>)
    %sub3A_47 = arith.constant 40 : i32
    %sub3A_48 = arith.subi %sub3A, %sub3A_47 : i32
    %jit3A_49 = arith.constant true
    %jit3A_50 = arith.constant 160 : i32
    %select_n3A_51 = arith.select %jit3A_49, %jit3A_50, %sub3A_48 : i32
    %multiple_of3A_52 = tpu.assume_multiple %select_n3A_51, 8 : i32
    %dma_start3A_53 = tpu.memref_slice %arg5[%multiple_of3A_52] : memref<6256xi32, #tpu.memory_space<vmem>> -> memref<40xi32, #tpu.memory_space<vmem>>
    %dma_start3A_54 = arith.constant 0 : i32
    %dma_start3A_55 = arith.constant 0 : i32
    %dma_start3A_56 = tpu.memref_slice %arg2[%dma_start3A_54, %dma_start3A_55] : memref<50000x256xf32, #tpu.memory_space<hbm>> -> memref<50000x256xf32, #tpu.memory_space<hbm>>
    tpu.enqueue_indirect_dma source(%dma_start3A_56 : memref<50000x256xf32, #tpu.memory_space<hbm>>) target(%arg10 : memref<40x256xf32, #tpu.memory_space<vmem>>) offsets(%dma_start3A_53 : memref<40xi32, #tpu.memory_space<vmem>>) semaphore(%arg22 : memref<!tpu.dma_semaphore, #tpu.memory_space<semaphore_mem>>)
    %sub3A_57 = arith.constant 40 : i32
    %sub3A_58 = arith.subi %sub3A, %sub3A_57 : i32
    %jit3A_59 = arith.constant true
    %jit3A_60 = arith.constant 200 : i32
    %select_n3A_61 = arith.select %jit3A_59, %jit3A_60, %sub3A_58 : i32
    %multiple_of3A_62 = tpu.assume_multiple %select_n3A_61, 8 : i32
    %dma_start3A_63 = tpu.memref_slice %arg5[%multiple_of3A_62] : memref<6256xi32, #tpu.memory_space<vmem>> -> memref<40xi32, #tpu.memory_space<vmem>>
    %dma_start3A_64 = arith.constant 0 : i32
    %dma_start3A_65 = arith.constant 0 : i32
    %dma_start3A_66 = tpu.memref_slice %arg2[%dma_start3A_64, %dma_start3A_65] : memref<50000x256xf32, #tpu.memory_space<hbm>> -> memref<50000x256xf32, #tpu.memory_space<hbm>>
    tpu.enqueue_indirect_dma source(%dma_start3A_66 : memref<50000x256xf32, #tpu.memory_space<hbm>>) target(%arg11 : memref<40x256xf32, #tpu.memory_space<vmem>>) offsets(%dma_start3A_63 : memref<40xi32, #tpu.memory_space<vmem>>) semaphore(%arg23 : memref<!tpu.dma_semaphore, #tpu.memory_space<semaphore_mem>>)
    %sub3A_67 = arith.constant 40 : i32
    %sub3A_68 = arith.subi %sub3A, %sub3A_67 : i32
    %jit3A_69 = arith.constant true
    %jit3A_70 = arith.constant 240 : i32
    %select_n3A_71 = arith.select %jit3A_69, %jit3A_70, %sub3A_68 : i32
    %multiple_of3A_72 = tpu.assume_multiple %select_n3A_71, 8 : i32
    %dma_start3A_73 = tpu.memref_slice %arg5[%multiple_of3A_72] : memref<6256xi32, #tpu.memory_space<vmem>> -> memref<40xi32, #tpu.memory_space<vmem>>
    %dma_start3A_74 = arith.constant 0 : i32
    %dma_start3A_75 = arith.constant 0 : i32
    %dma_start3A_76 = tpu.memref_slice %arg2[%dma_start3A_74, %dma_start3A_75] : memref<50000x256xf32, #tpu.memory_space<hbm>> -> memref<50000x256xf32, #tpu.memory_space<hbm>>
    tpu.enqueue_indirect_dma source(%dma_start3A_76 : memref<50000x256xf32, #tpu.memory_space<hbm>>) target(%arg12 : memref<40x256xf32, #tpu.memory_space<vmem>>) offsets(%dma_start3A_73 : memref<40xi32, #tpu.memory_space<vmem>>) semaphore(%arg24 : memref<!tpu.dma_semaphore, #tpu.memory_space<semaphore_mem>>)
    %sub3A_77 = arith.constant 40 : i32
    %sub3A_78 = arith.subi %sub3A, %sub3A_77 : i32
    %jit3A_79 = arith.constant true
    %jit3A_80 = arith.constant 280 : i32
    %select_n3A_81 = arith.select %jit3A_79, %jit3A_80, %sub3A_78 : i32
    %multiple_of3A_82 = tpu.assume_multiple %select_n3A_81, 8 : i32
    %dma_start3A_83 = tpu.memref_slice %arg5[%multiple_of3A_82] : memref<6256xi32, #tpu.memory_space<vmem>> -> memref<40xi32, #tpu.memory_space<vmem>>
    %dma_start3A_84 = arith.constant 0 : i32
    %dma_start3A_85 = arith.constant 0 : i32
    %dma_start3A_86 = tpu.memref_slice %arg2[%dma_start3A_84, %dma_start3A_85] : memref<50000x256xf32, #tpu.memory_space<hbm>> -> memref<50000x256xf32, #tpu.memory_space<hbm>>
    tpu.enqueue_indirect_dma source(%dma_start3A_86 : memref<50000x256xf32, #tpu.memory_space<hbm>>) target(%arg13 : memref<40x256xf32, #tpu.memory_space<vmem>>) offsets(%dma_start3A_83 : memref<40xi32, #tpu.memory_space<vmem>>) semaphore(%arg25 : memref<!tpu.dma_semaphore, #tpu.memory_space<semaphore_mem>>)
    %sub3A_87 = arith.constant 40 : i32
    %sub3A_88 = arith.subi %sub3A, %sub3A_87 : i32
    %jit3A_89 = arith.constant true
    %jit3A_90 = arith.constant 320 : i32
    %select_n3A_91 = arith.select %jit3A_89, %jit3A_90, %sub3A_88 : i32
    %multiple_of3A_92 = tpu.assume_multiple %select_n3A_91, 8 : i32
    %dma_start3A_93 = tpu.memref_slice %arg5[%multiple_of3A_92] : memref<6256xi32, #tpu.memory_space<vmem>> -> memref<40xi32, #tpu.memory_space<vmem>>
    %dma_start3A_94 = arith.constant 0 : i32
    %dma_start3A_95 = arith.constant 0 : i32
    %dma_start3A_96 = tpu.memref_slice %arg2[%dma_start3A_94, %dma_start3A_95] : memref<50000x256xf32, #tpu.memory_space<hbm>> -> memref<50000x256xf32, #tpu.memory_space<hbm>>
    tpu.enqueue_indirect_dma source(%dma_start3A_96 : memref<50000x256xf32, #tpu.memory_space<hbm>>) target(%arg14 : memref<40x256xf32, #tpu.memory_space<vmem>>) offsets(%dma_start3A_93 : memref<40xi32, #tpu.memory_space<vmem>>) semaphore(%arg26 : memref<!tpu.dma_semaphore, #tpu.memory_space<semaphore_mem>>)
    %sub3A_97 = arith.constant 40 : i32
    %sub3A_98 = arith.subi %sub3A, %sub3A_97 : i32
    %jit3A_99 = arith.constant true
    %jit3A_100 = arith.constant 360 : i32
    %select_n3A_101 = arith.select %jit3A_99, %jit3A_100, %sub3A_98 : i32
    %multiple_of3A_102 = tpu.assume_multiple %select_n3A_101, 8 : i32
    %dma_start3A_103 = tpu.memref_slice %arg5[%multiple_of3A_102] : memref<6256xi32, #tpu.memory_space<vmem>> -> memref<40xi32, #tpu.memory_space<vmem>>
    %dma_start3A_104 = arith.constant 0 : i32
    %dma_start3A_105 = arith.constant 0 : i32
    %dma_start3A_106 = tpu.memref_slice %arg2[%dma_start3A_104, %dma_start3A_105] : memref<50000x256xf32, #tpu.memory_space<hbm>> -> memref<50000x256xf32, #tpu.memory_space<hbm>>
    tpu.enqueue_indirect_dma source(%dma_start3A_106 : memref<50000x256xf32, #tpu.memory_space<hbm>>) target(%arg15 : memref<40x256xf32, #tpu.memory_space<vmem>>) offsets(%dma_start3A_103 : memref<40xi32, #tpu.memory_space<vmem>>) semaphore(%arg27 : memref<!tpu.dma_semaphore, #tpu.memory_space<semaphore_mem>>)
    %sub3A_107 = arith.constant 40 : i32
    %sub3A_108 = arith.subi %sub3A, %sub3A_107 : i32
    %jit3A_109 = arith.constant true
    %jit3A_110 = arith.constant 400 : i32
    %select_n3A_111 = arith.select %jit3A_109, %jit3A_110, %sub3A_108 : i32
    %multiple_of3A_112 = tpu.assume_multiple %select_n3A_111, 8 : i32
    %dma_start3A_113 = tpu.memref_slice %arg5[%multiple_of3A_112] : memref<6256xi32, #tpu.memory_space<vmem>> -> memref<40xi32, #tpu.memory_space<vmem>>
    %dma_start3A_114 = arith.constant 0 : i32
    %dma_start3A_115 = arith.constant 0 : i32
    %dma_start3A_116 = tpu.memref_slice %arg2[%dma_start3A_114, %dma_start3A_115] : memref<50000x256xf32, #tpu.memory_space<hbm>> -> memref<50000x256xf32, #tpu.memory_space<hbm>>
    tpu.enqueue_indirect_dma source(%dma_start3A_116 : memref<50000x256xf32, #tpu.memory_space<hbm>>) target(%arg16 : memref<40x256xf32, #tpu.memory_space<vmem>>) offsets(%dma_start3A_113 : memref<40xi32, #tpu.memory_space<vmem>>) semaphore(%arg28 : memref<!tpu.dma_semaphore, #tpu.memory_space<semaphore_mem>>)
    %sub3A_117 = arith.constant 40 : i32
    %sub3A_118 = arith.subi %sub3A, %sub3A_117 : i32
    %jit3A_119 = arith.constant true
    %jit3A_120 = arith.constant 440 : i32
    %select_n3A_121 = arith.select %jit3A_119, %jit3A_120, %sub3A_118 : i32
    %multiple_of3A_122 = tpu.assume_multiple %select_n3A_121, 8 : i32
    %dma_start3A_123 = tpu.memref_slice %arg5[%multiple_of3A_122] : memref<6256xi32, #tpu.memory_space<vmem>> -> memref<40xi32, #tpu.memory_space<vmem>>
    %dma_start3A_124 = arith.constant 0 : i32
    %dma_start3A_125 = arith.constant 0 : i32
    %dma_start3A_126 = tpu.memref_slice %arg2[%dma_start3A_124, %dma_start3A_125] : memref<50000x256xf32, #tpu.memory_space<hbm>> -> memref<50000x256xf32, #tpu.memory_space<hbm>>
    tpu.enqueue_indirect_dma source(%dma_start3A_126 : memref<50000x256xf32, #tpu.memory_space<hbm>>) target(%arg17 : memref<40x256xf32, #tpu.memory_space<vmem>>) offsets(%dma_start3A_123 : memref<40xi32, #tpu.memory_space<vmem>>) semaphore(%arg29 : memref<!tpu.dma_semaphore, #tpu.memory_space<semaphore_mem>>)
    %scan3A = arith.constant 0 : i32
    %scan3A_127 = arith.constant 0 : i32
    %scan3A_128 = arith.constant 14 : i32
    %scan3A_129 = arith.addi %scan3A_127, %scan3A_128 : i32
    %scan3A_130 = arith.constant 1 : i32
    scf.for %scan3A_132 = %scan3A_127 to %scan3A_129 step %scan3A_130  : i32 {
      %mul3A_133 = arith.constant 12 : i32
      %mul3A_134 = arith.muli %mul3A_133, %scan3A_132 : i32
      %add3A_135 = arith.constant 0 : i32
      %add3A_136 = arith.addi %mul3A_134, %add3A_135 : i32
      %lt3A = arith.constant 157 : i32
      %lt3A_137 = arith.cmpi slt, %add3A_136, %lt3A : i32
      %convert_element_type3A = arith.extui %lt3A_137 : i1 to i32
      %cond3A = arith.constant 0 : i32
      %cond3A_138 = arith.cmpi ne, %convert_element_type3A, %cond3A : i32
      scf.if %cond3A_138 {
        %lt3A_238 = arith.constant 156 : i32
        %lt3A_239 = arith.cmpi slt, %add3A_136, %lt3A_238 : i32
        %mul3A_240 = arith.constant 40 : i32
        %mul3A_241 = arith.muli %add3A_136, %mul3A_240 : i32
        %sub3A_242 = arith.constant 40 : i32
        %sub3A_243 = arith.subi %sub3A, %sub3A_242 : i32
        %select_n3A_244 = arith.select %lt3A_239, %mul3A_241, %sub3A_243 : i32
        %multiple_of3A_245 = tpu.assume_multiple %select_n3A_244, 8 : i32
        %dma_wait3A = tpu.memref_slice %arg5[%multiple_of3A_245] : memref<6256xi32, #tpu.memory_space<vmem>> -> memref<40xi32, #tpu.memory_space<vmem>>
        %dma_wait3A_246 = arith.constant 0 : i32
        %dma_wait3A_247 = arith.constant 0 : i32
        %dma_wait3A_248 = tpu.memref_slice %arg2[%dma_wait3A_246, %dma_wait3A_247] : memref<50000x256xf32, #tpu.memory_space<hbm>> -> memref<50000x256xf32, #tpu.memory_space<hbm>>
        tpu.wait_indirect_dma semaphore(%arg18 : memref<!tpu.dma_semaphore, #tpu.memory_space<semaphore_mem>>) src(%dma_wait3A_248 : memref<50000x256xf32, #tpu.memory_space<hbm>>) dst(%arg6 : memref<40x256xf32, #tpu.memory_space<vmem>>)
        %lt3A_249 = arith.constant 156 : i32
        %lt3A_250 = arith.cmpi slt, %add3A_136, %lt3A_249 : i32
        %mul3A_251 = arith.constant 40 : i32
        %mul3A_252 = arith.muli %add3A_136, %mul3A_251 : i32
        %sub3A_253 = arith.constant 40 : i32
        %sub3A_254 = arith.subi %sub3A, %sub3A_253 : i32
        %select_n3A_255 = arith.select %lt3A_250, %mul3A_252, %sub3A_254 : i32
        %multiple_of3A_256 = tpu.assume_multiple %select_n3A_255, 8 : i32
        %add3A_257 = arith.addi %multiple_of3A, %multiple_of3A_256 : i32
        %dma_start3A_258 = arith.constant 0 : i32
        %dma_start3A_259 = tpu.memref_slice %arg4[%add3A_257, %dma_start3A_258] : memref<200000x256xf32, #tpu.memory_space<hbm>> -> memref<40x256xf32, #tpu.memory_space<hbm>>
        %dma_start3A_260 = arith.constant 0 : i32
        %dma_start3A_261 = tpu.memref_slice %arg4[%add3A_257, %dma_start3A_260] : memref<200000x256xf32, #tpu.memory_space<hbm>> -> memref<40x256xf32, #tpu.memory_space<hbm>>
        tpu.enqueue_dma source(%arg6 : memref<40x256xf32, #tpu.memory_space<vmem>>) target(%dma_start3A_261 : memref<40x256xf32, #tpu.memory_space<hbm>>) target_semaphore(%arg30 : memref<!tpu.dma_semaphore, #tpu.memory_space<semaphore_mem>>)
        %lt3A_262 = arith.constant 156 : i32
        %lt3A_263 = arith.cmpi slt, %add3A_136, %lt3A_262 : i32
        %mul3A_264 = arith.constant 40 : i32
        %mul3A_265 = arith.muli %add3A_136, %mul3A_264 : i32
        %sub3A_266 = arith.constant 40 : i32
        %sub3A_267 = arith.subi %sub3A, %sub3A_266 : i32
        %select_n3A_268 = arith.select %lt3A_263, %mul3A_265, %sub3A_267 : i32
        %multiple_of3A_269 = tpu.assume_multiple %select_n3A_268, 8 : i32
        %add3A_270 = arith.addi %multiple_of3A, %multiple_of3A_269 : i32
        %dma_wait3A_271 = arith.constant 0 : i32
        %dma_wait3A_272 = tpu.memref_slice %arg4[%add3A_270, %dma_wait3A_271] : memref<200000x256xf32, #tpu.memory_space<hbm>> -> memref<40x256xf32, #tpu.memory_space<hbm>>
        %dma_wait3A_273 = arith.constant 0 : i32
        %dma_wait3A_274 = tpu.memref_slice %arg4[%add3A_270, %dma_wait3A_273] : memref<200000x256xf32, #tpu.memory_space<hbm>> -> memref<40x256xf32, #tpu.memory_space<hbm>>
        tpu.wait_dma2 semaphore(%arg30 : memref<!tpu.dma_semaphore, #tpu.memory_space<semaphore_mem>>) src(%arg6 : memref<40x256xf32, #tpu.memory_space<vmem>>) dst(%dma_wait3A_274 : memref<40x256xf32, #tpu.memory_space<hbm>>)
        %add3A_275 = arith.constant 12 : i32
        %add3A_276 = arith.addi %add3A_136, %add3A_275 : i32
        %lt3A_277 = arith.constant 157 : i32
        %lt3A_278 = arith.cmpi slt, %add3A_276, %lt3A_277 : i32
        %convert_element_type3A_279 = arith.extui %lt3A_278 : i1 to i32
        %cond3A_280 = arith.constant 0 : i32
        %cond3A_281 = arith.cmpi ne, %convert_element_type3A_279, %cond3A_280 : i32
        scf.if %cond3A_281 {
          %add3A_282 = arith.constant 12 : i32
          %add3A_283 = arith.addi %add3A_136, %add3A_282 : i32
          %lt3A_284 = arith.constant 156 : i32
          %lt3A_285 = arith.cmpi slt, %add3A_283, %lt3A_284 : i32
          %mul3A_286 = arith.constant 40 : i32
          %mul3A_287 = arith.muli %add3A_283, %mul3A_286 : i32
          %sub3A_288 = arith.constant 40 : i32
          %sub3A_289 = arith.subi %sub3A, %sub3A_288 : i32
          %select_n3A_290 = arith.select %lt3A_285, %mul3A_287, %sub3A_289 : i32
          %multiple_of3A_291 = tpu.assume_multiple %select_n3A_290, 8 : i32
          %dma_start3A_292 = tpu.memref_slice %arg5[%multiple_of3A_291] : memref<6256xi32, #tpu.memory_space<vmem>> -> memref<40xi32, #tpu.memory_space<vmem>>
          %dma_start3A_293 = arith.constant 0 : i32
          %dma_start3A_294 = arith.constant 0 : i32
          %dma_start3A_295 = tpu.memref_slice %arg2[%dma_start3A_293, %dma_start3A_294] : memref<50000x256xf32, #tpu.memory_space<hbm>> -> memref<50000x256xf32, #tpu.memory_space<hbm>>
          tpu.enqueue_indirect_dma source(%dma_start3A_295 : memref<50000x256xf32, #tpu.memory_space<hbm>>) target(%arg6 : memref<40x256xf32, #tpu.memory_space<vmem>>) offsets(%dma_start3A_292 : memref<40xi32, #tpu.memory_space<vmem>>) semaphore(%arg18 : memref<!tpu.dma_semaphore, #tpu.memory_space<semaphore_mem>>)
        } else {
        }
      } else {
      }
      %mul3A_139 = arith.constant 12 : i32
      %mul3A_140 = arith.muli %mul3A_139, %scan3A_132 : i32
      %add3A_141 = arith.constant 1 : i32
      %add3A_142 = arith.addi %mul3A_140, %add3A_141 : i32
      %lt3A_143 = arith.constant 157 : i32
      %lt3A_144 = arith.cmpi slt, %add3A_142, %lt3A_143 : i32
      %convert_element_type3A_145 = arith.extui %lt3A_144 : i1 to i32
      %cond3A_146 = arith.constant 0 : i32
      %cond3A_147 = arith.cmpi ne, %convert_element_type3A_145, %cond3A_146 : i32
      scf.if %cond3A_147 {
        %lt3A_238 = arith.constant 156 : i32
        %lt3A_239 = arith.cmpi slt, %add3A_142, %lt3A_238 : i32
        %mul3A_240 = arith.constant 40 : i32
        %mul3A_241 = arith.muli %add3A_142, %mul3A_240 : i32
        %sub3A_242 = arith.constant 40 : i32
        %sub3A_243 = arith.subi %sub3A, %sub3A_242 : i32
        %select_n3A_244 = arith.select %lt3A_239, %mul3A_241, %sub3A_243 : i32
        %multiple_of3A_245 = tpu.assume_multiple %select_n3A_244, 8 : i32
        %dma_wait3A = tpu.memref_slice %arg5[%multiple_of3A_245] : memref<6256xi32, #tpu.memory_space<vmem>> -> memref<40xi32, #tpu.memory_space<vmem>>
        %dma_wait3A_246 = arith.constant 0 : i32
        %dma_wait3A_247 = arith.constant 0 : i32
        %dma_wait3A_248 = tpu.memref_slice %arg2[%dma_wait3A_246, %dma_wait3A_247] : memref<50000x256xf32, #tpu.memory_space<hbm>> -> memref<50000x256xf32, #tpu.memory_space<hbm>>
        tpu.wait_indirect_dma semaphore(%arg19 : memref<!tpu.dma_semaphore, #tpu.memory_space<semaphore_mem>>) src(%dma_wait3A_248 : memref<50000x256xf32, #tpu.memory_space<hbm>>) dst(%arg7 : memref<40x256xf32, #tpu.memory_space<vmem>>)
        %lt3A_249 = arith.constant 156 : i32
        %lt3A_250 = arith.cmpi slt, %add3A_142, %lt3A_249 : i32
        %mul3A_251 = arith.constant 40 : i32
        %mul3A_252 = arith.muli %add3A_142, %mul3A_251 : i32
        %sub3A_253 = arith.constant 40 : i32
        %sub3A_254 = arith.subi %sub3A, %sub3A_253 : i32
        %select_n3A_255 = arith.select %lt3A_250, %mul3A_252, %sub3A_254 : i32
        %multiple_of3A_256 = tpu.assume_multiple %select_n3A_255, 8 : i32
        %add3A_257 = arith.addi %multiple_of3A, %multiple_of3A_256 : i32
        %dma_start3A_258 = arith.constant 0 : i32
        %dma_start3A_259 = tpu.memref_slice %arg4[%add3A_257, %dma_start3A_258] : memref<200000x256xf32, #tpu.memory_space<hbm>> -> memref<40x256xf32, #tpu.memory_space<hbm>>
        %dma_start3A_260 = arith.constant 0 : i32
        %dma_start3A_261 = tpu.memref_slice %arg4[%add3A_257, %dma_start3A_260] : memref<200000x256xf32, #tpu.memory_space<hbm>> -> memref<40x256xf32, #tpu.memory_space<hbm>>
        tpu.enqueue_dma source(%arg7 : memref<40x256xf32, #tpu.memory_space<vmem>>) target(%dma_start3A_261 : memref<40x256xf32, #tpu.memory_space<hbm>>) target_semaphore(%arg31 : memref<!tpu.dma_semaphore, #tpu.memory_space<semaphore_mem>>)
        %lt3A_262 = arith.constant 156 : i32
        %lt3A_263 = arith.cmpi slt, %add3A_142, %lt3A_262 : i32
        %mul3A_264 = arith.constant 40 : i32
        %mul3A_265 = arith.muli %add3A_142, %mul3A_264 : i32
        %sub3A_266 = arith.constant 40 : i32
        %sub3A_267 = arith.subi %sub3A, %sub3A_266 : i32
        %select_n3A_268 = arith.select %lt3A_263, %mul3A_265, %sub3A_267 : i32
        %multiple_of3A_269 = tpu.assume_multiple %select_n3A_268, 8 : i32
        %add3A_270 = arith.addi %multiple_of3A, %multiple_of3A_269 : i32
        %dma_wait3A_271 = arith.constant 0 : i32
        %dma_wait3A_272 = tpu.memref_slice %arg4[%add3A_270, %dma_wait3A_271] : memref<200000x256xf32, #tpu.memory_space<hbm>> -> memref<40x256xf32, #tpu.memory_space<hbm>>
        %dma_wait3A_273 = arith.constant 0 : i32
        %dma_wait3A_274 = tpu.memref_slice %arg4[%add3A_270, %dma_wait3A_273] : memref<200000x256xf32, #tpu.memory_space<hbm>> -> memref<40x256xf32, #tpu.memory_space<hbm>>
        tpu.wait_dma2 semaphore(%arg31 : memref<!tpu.dma_semaphore, #tpu.memory_space<semaphore_mem>>) src(%arg7 : memref<40x256xf32, #tpu.memory_space<vmem>>) dst(%dma_wait3A_274 : memref<40x256xf32, #tpu.memory_space<hbm>>)
        %add3A_275 = arith.constant 12 : i32
        %add3A_276 = arith.addi %add3A_142, %add3A_275 : i32
        %lt3A_277 = arith.constant 157 : i32
        %lt3A_278 = arith.cmpi slt, %add3A_276, %lt3A_277 : i32
        %convert_element_type3A_279 = arith.extui %lt3A_278 : i1 to i32
        %cond3A_280 = arith.constant 0 : i32
        %cond3A_281 = arith.cmpi ne, %convert_element_type3A_279, %cond3A_280 : i32
        scf.if %cond3A_281 {
          %add3A_282 = arith.constant 12 : i32
          %add3A_283 = arith.addi %add3A_142, %add3A_282 : i32
          %lt3A_284 = arith.constant 156 : i32
          %lt3A_285 = arith.cmpi slt, %add3A_283, %lt3A_284 : i32
          %mul3A_286 = arith.constant 40 : i32
          %mul3A_287 = arith.muli %add3A_283, %mul3A_286 : i32
          %sub3A_288 = arith.constant 40 : i32
          %sub3A_289 = arith.subi %sub3A, %sub3A_288 : i32
          %select_n3A_290 = arith.select %lt3A_285, %mul3A_287, %sub3A_289 : i32
          %multiple_of3A_291 = tpu.assume_multiple %select_n3A_290, 8 : i32
          %dma_start3A_292 = tpu.memref_slice %arg5[%multiple_of3A_291] : memref<6256xi32, #tpu.memory_space<vmem>> -> memref<40xi32, #tpu.memory_space<vmem>>
          %dma_start3A_293 = arith.constant 0 : i32
          %dma_start3A_294 = arith.constant 0 : i32
          %dma_start3A_295 = tpu.memref_slice %arg2[%dma_start3A_293, %dma_start3A_294] : memref<50000x256xf32, #tpu.memory_space<hbm>> -> memref<50000x256xf32, #tpu.memory_space<hbm>>
          tpu.enqueue_indirect_dma source(%dma_start3A_295 : memref<50000x256xf32, #tpu.memory_space<hbm>>) target(%arg7 : memref<40x256xf32, #tpu.memory_space<vmem>>) offsets(%dma_start3A_292 : memref<40xi32, #tpu.memory_space<vmem>>) semaphore(%arg19 : memref<!tpu.dma_semaphore, #tpu.memory_space<semaphore_mem>>)
        } else {
        }
      } else {
      }
      %mul3A_148 = arith.constant 12 : i32
      %mul3A_149 = arith.muli %mul3A_148, %scan3A_132 : i32
      %add3A_150 = arith.constant 2 : i32
      %add3A_151 = arith.addi %mul3A_149, %add3A_150 : i32
      %lt3A_152 = arith.constant 157 : i32
      %lt3A_153 = arith.cmpi slt, %add3A_151, %lt3A_152 : i32
      %convert_element_type3A_154 = arith.extui %lt3A_153 : i1 to i32
      %cond3A_155 = arith.constant 0 : i32
      %cond3A_156 = arith.cmpi ne, %convert_element_type3A_154, %cond3A_155 : i32
      scf.if %cond3A_156 {
        %lt3A_238 = arith.constant 156 : i32
        %lt3A_239 = arith.cmpi slt, %add3A_151, %lt3A_238 : i32
        %mul3A_240 = arith.constant 40 : i32
        %mul3A_241 = arith.muli %add3A_151, %mul3A_240 : i32
        %sub3A_242 = arith.constant 40 : i32
        %sub3A_243 = arith.subi %sub3A, %sub3A_242 : i32
        %select_n3A_244 = arith.select %lt3A_239, %mul3A_241, %sub3A_243 : i32
        %multiple_of3A_245 = tpu.assume_multiple %select_n3A_244, 8 : i32
        %dma_wait3A = tpu.memref_slice %arg5[%multiple_of3A_245] : memref<6256xi32, #tpu.memory_space<vmem>> -> memref<40xi32, #tpu.memory_space<vmem>>
        %dma_wait3A_246 = arith.constant 0 : i32
        %dma_wait3A_247 = arith.constant 0 : i32
        %dma_wait3A_248 = tpu.memref_slice %arg2[%dma_wait3A_246, %dma_wait3A_247] : memref<50000x256xf32, #tpu.memory_space<hbm>> -> memref<50000x256xf32, #tpu.memory_space<hbm>>
        tpu.wait_indirect_dma semaphore(%arg20 : memref<!tpu.dma_semaphore, #tpu.memory_space<semaphore_mem>>) src(%dma_wait3A_248 : memref<50000x256xf32, #tpu.memory_space<hbm>>) dst(%arg8 : memref<40x256xf32, #tpu.memory_space<vmem>>)
        %lt3A_249 = arith.constant 156 : i32
        %lt3A_250 = arith.cmpi slt, %add3A_151, %lt3A_249 : i32
        %mul3A_251 = arith.constant 40 : i32
        %mul3A_252 = arith.muli %add3A_151, %mul3A_251 : i32
        %sub3A_253 = arith.constant 40 : i32
        %sub3A_254 = arith.subi %sub3A, %sub3A_253 : i32
        %select_n3A_255 = arith.select %lt3A_250, %mul3A_252, %sub3A_254 : i32
        %multiple_of3A_256 = tpu.assume_multiple %select_n3A_255, 8 : i32
        %add3A_257 = arith.addi %multiple_of3A, %multiple_of3A_256 : i32
        %dma_start3A_258 = arith.constant 0 : i32
        %dma_start3A_259 = tpu.memref_slice %arg4[%add3A_257, %dma_start3A_258] : memref<200000x256xf32, #tpu.memory_space<hbm>> -> memref<40x256xf32, #tpu.memory_space<hbm>>
        %dma_start3A_260 = arith.constant 0 : i32
        %dma_start3A_261 = tpu.memref_slice %arg4[%add3A_257, %dma_start3A_260] : memref<200000x256xf32, #tpu.memory_space<hbm>> -> memref<40x256xf32, #tpu.memory_space<hbm>>
        tpu.enqueue_dma source(%arg8 : memref<40x256xf32, #tpu.memory_space<vmem>>) target(%dma_start3A_261 : memref<40x256xf32, #tpu.memory_space<hbm>>) target_semaphore(%arg32 : memref<!tpu.dma_semaphore, #tpu.memory_space<semaphore_mem>>)
        %lt3A_262 = arith.constant 156 : i32
        %lt3A_263 = arith.cmpi slt, %add3A_151, %lt3A_262 : i32
        %mul3A_264 = arith.constant 40 : i32
        %mul3A_265 = arith.muli %add3A_151, %mul3A_264 : i32
        %sub3A_266 = arith.constant 40 : i32
        %sub3A_267 = arith.subi %sub3A, %sub3A_266 : i32
        %select_n3A_268 = arith.select %lt3A_263, %mul3A_265, %sub3A_267 : i32
        %multiple_of3A_269 = tpu.assume_multiple %select_n3A_268, 8 : i32
        %add3A_270 = arith.addi %multiple_of3A, %multiple_of3A_269 : i32
        %dma_wait3A_271 = arith.constant 0 : i32
        %dma_wait3A_272 = tpu.memref_slice %arg4[%add3A_270, %dma_wait3A_271] : memref<200000x256xf32, #tpu.memory_space<hbm>> -> memref<40x256xf32, #tpu.memory_space<hbm>>
        %dma_wait3A_273 = arith.constant 0 : i32
        %dma_wait3A_274 = tpu.memref_slice %arg4[%add3A_270, %dma_wait3A_273] : memref<200000x256xf32, #tpu.memory_space<hbm>> -> memref<40x256xf32, #tpu.memory_space<hbm>>
        tpu.wait_dma2 semaphore(%arg32 : memref<!tpu.dma_semaphore, #tpu.memory_space<semaphore_mem>>) src(%arg8 : memref<40x256xf32, #tpu.memory_space<vmem>>) dst(%dma_wait3A_274 : memref<40x256xf32, #tpu.memory_space<hbm>>)
        %add3A_275 = arith.constant 12 : i32
        %add3A_276 = arith.addi %add3A_151, %add3A_275 : i32
        %lt3A_277 = arith.constant 157 : i32
        %lt3A_278 = arith.cmpi slt, %add3A_276, %lt3A_277 : i32
        %convert_element_type3A_279 = arith.extui %lt3A_278 : i1 to i32
        %cond3A_280 = arith.constant 0 : i32
        %cond3A_281 = arith.cmpi ne, %convert_element_type3A_279, %cond3A_280 : i32
        scf.if %cond3A_281 {
          %add3A_282 = arith.constant 12 : i32
          %add3A_283 = arith.addi %add3A_151, %add3A_282 : i32
          %lt3A_284 = arith.constant 156 : i32
          %lt3A_285 = arith.cmpi slt, %add3A_283, %lt3A_284 : i32
          %mul3A_286 = arith.constant 40 : i32
          %mul3A_287 = arith.muli %add3A_283, %mul3A_286 : i32
          %sub3A_288 = arith.constant 40 : i32
          %sub3A_289 = arith.subi %sub3A, %sub3A_288 : i32
          %select_n3A_290 = arith.select %lt3A_285, %mul3A_287, %sub3A_289 : i32
          %multiple_of3A_291 = tpu.assume_multiple %select_n3A_290, 8 : i32
          %dma_start3A_292 = tpu.memref_slice %arg5[%multiple_of3A_291] : memref<6256xi32, #tpu.memory_space<vmem>> -> memref<40xi32, #tpu.memory_space<vmem>>
          %dma_start3A_293 = arith.constant 0 : i32
          %dma_start3A_294 = arith.constant 0 : i32
          %dma_start3A_295 = tpu.memref_slice %arg2[%dma_start3A_293, %dma_start3A_294] : memref<50000x256xf32, #tpu.memory_space<hbm>> -> memref<50000x256xf32, #tpu.memory_space<hbm>>
          tpu.enqueue_indirect_dma source(%dma_start3A_295 : memref<50000x256xf32, #tpu.memory_space<hbm>>) target(%arg8 : memref<40x256xf32, #tpu.memory_space<vmem>>) offsets(%dma_start3A_292 : memref<40xi32, #tpu.memory_space<vmem>>) semaphore(%arg20 : memref<!tpu.dma_semaphore, #tpu.memory_space<semaphore_mem>>)
        } else {
        }
      } else {
      }
      %mul3A_157 = arith.constant 12 : i32
      %mul3A_158 = arith.muli %mul3A_157, %scan3A_132 : i32
      %add3A_159 = arith.constant 3 : i32
      %add3A_160 = arith.addi %mul3A_158, %add3A_159 : i32
      %lt3A_161 = arith.constant 157 : i32
      %lt3A_162 = arith.cmpi slt, %add3A_160, %lt3A_161 : i32
      %convert_element_type3A_163 = arith.extui %lt3A_162 : i1 to i32
      %cond3A_164 = arith.constant 0 : i32
      %cond3A_165 = arith.cmpi ne, %convert_element_type3A_163, %cond3A_164 : i32
      scf.if %cond3A_165 {
        %lt3A_238 = arith.constant 156 : i32
        %lt3A_239 = arith.cmpi slt, %add3A_160, %lt3A_238 : i32
        %mul3A_240 = arith.constant 40 : i32
        %mul3A_241 = arith.muli %add3A_160, %mul3A_240 : i32
        %sub3A_242 = arith.constant 40 : i32
        %sub3A_243 = arith.subi %sub3A, %sub3A_242 : i32
        %select_n3A_244 = arith.select %lt3A_239, %mul3A_241, %sub3A_243 : i32
        %multiple_of3A_245 = tpu.assume_multiple %select_n3A_244, 8 : i32
        %dma_wait3A = tpu.memref_slice %arg5[%multiple_of3A_245] : memref<6256xi32, #tpu.memory_space<vmem>> -> memref<40xi32, #tpu.memory_space<vmem>>
        %dma_wait3A_246 = arith.constant 0 : i32
        %dma_wait3A_247 = arith.constant 0 : i32
        %dma_wait3A_248 = tpu.memref_slice %arg2[%dma_wait3A_246, %dma_wait3A_247] : memref<50000x256xf32, #tpu.memory_space<hbm>> -> memref<50000x256xf32, #tpu.memory_space<hbm>>
        tpu.wait_indirect_dma semaphore(%arg21 : memref<!tpu.dma_semaphore, #tpu.memory_space<semaphore_mem>>) src(%dma_wait3A_248 : memref<50000x256xf32, #tpu.memory_space<hbm>>) dst(%arg9 : memref<40x256xf32, #tpu.memory_space<vmem>>)
        %lt3A_249 = arith.constant 156 : i32
        %lt3A_250 = arith.cmpi slt, %add3A_160, %lt3A_249 : i32
        %mul3A_251 = arith.constant 40 : i32
        %mul3A_252 = arith.muli %add3A_160, %mul3A_251 : i32
        %sub3A_253 = arith.constant 40 : i32
        %sub3A_254 = arith.subi %sub3A, %sub3A_253 : i32
        %select_n3A_255 = arith.select %lt3A_250, %mul3A_252, %sub3A_254 : i32
        %multiple_of3A_256 = tpu.assume_multiple %select_n3A_255, 8 : i32
        %add3A_257 = arith.addi %multiple_of3A, %multiple_of3A_256 : i32
        %dma_start3A_258 = arith.constant 0 : i32
        %dma_start3A_259 = tpu.memref_slice %arg4[%add3A_257, %dma_start3A_258] : memref<200000x256xf32, #tpu.memory_space<hbm>> -> memref<40x256xf32, #tpu.memory_space<hbm>>
        %dma_start3A_260 = arith.constant 0 : i32
        %dma_start3A_261 = tpu.memref_slice %arg4[%add3A_257, %dma_start3A_260] : memref<200000x256xf32, #tpu.memory_space<hbm>> -> memref<40x256xf32, #tpu.memory_space<hbm>>
        tpu.enqueue_dma source(%arg9 : memref<40x256xf32, #tpu.memory_space<vmem>>) target(%dma_start3A_261 : memref<40x256xf32, #tpu.memory_space<hbm>>) target_semaphore(%arg33 : memref<!tpu.dma_semaphore, #tpu.memory_space<semaphore_mem>>)
        %lt3A_262 = arith.constant 156 : i32
        %lt3A_263 = arith.cmpi slt, %add3A_160, %lt3A_262 : i32
        %mul3A_264 = arith.constant 40 : i32
        %mul3A_265 = arith.muli %add3A_160, %mul3A_264 : i32
        %sub3A_266 = arith.constant 40 : i32
        %sub3A_267 = arith.subi %sub3A, %sub3A_266 : i32
        %select_n3A_268 = arith.select %lt3A_263, %mul3A_265, %sub3A_267 : i32
        %multiple_of3A_269 = tpu.assume_multiple %select_n3A_268, 8 : i32
        %add3A_270 = arith.addi %multiple_of3A, %multiple_of3A_269 : i32
        %dma_wait3A_271 = arith.constant 0 : i32
        %dma_wait3A_272 = tpu.memref_slice %arg4[%add3A_270, %dma_wait3A_271] : memref<200000x256xf32, #tpu.memory_space<hbm>> -> memref<40x256xf32, #tpu.memory_space<hbm>>
        %dma_wait3A_273 = arith.constant 0 : i32
        %dma_wait3A_274 = tpu.memref_slice %arg4[%add3A_270, %dma_wait3A_273] : memref<200000x256xf32, #tpu.memory_space<hbm>> -> memref<40x256xf32, #tpu.memory_space<hbm>>
        tpu.wait_dma2 semaphore(%arg33 : memref<!tpu.dma_semaphore, #tpu.memory_space<semaphore_mem>>) src(%arg9 : memref<40x256xf32, #tpu.memory_space<vmem>>) dst(%dma_wait3A_274 : memref<40x256xf32, #tpu.memory_space<hbm>>)
        %add3A_275 = arith.constant 12 : i32
        %add3A_276 = arith.addi %add3A_160, %add3A_275 : i32
        %lt3A_277 = arith.constant 157 : i32
        %lt3A_278 = arith.cmpi slt, %add3A_276, %lt3A_277 : i32
        %convert_element_type3A_279 = arith.extui %lt3A_278 : i1 to i32
        %cond3A_280 = arith.constant 0 : i32
        %cond3A_281 = arith.cmpi ne, %convert_element_type3A_279, %cond3A_280 : i32
        scf.if %cond3A_281 {
          %add3A_282 = arith.constant 12 : i32
          %add3A_283 = arith.addi %add3A_160, %add3A_282 : i32
          %lt3A_284 = arith.constant 156 : i32
          %lt3A_285 = arith.cmpi slt, %add3A_283, %lt3A_284 : i32
          %mul3A_286 = arith.constant 40 : i32
          %mul3A_287 = arith.muli %add3A_283, %mul3A_286 : i32
          %sub3A_288 = arith.constant 40 : i32
          %sub3A_289 = arith.subi %sub3A, %sub3A_288 : i32
          %select_n3A_290 = arith.select %lt3A_285, %mul3A_287, %sub3A_289 : i32
          %multiple_of3A_291 = tpu.assume_multiple %select_n3A_290, 8 : i32
          %dma_start3A_292 = tpu.memref_slice %arg5[%multiple_of3A_291] : memref<6256xi32, #tpu.memory_space<vmem>> -> memref<40xi32, #tpu.memory_space<vmem>>
          %dma_start3A_293 = arith.constant 0 : i32
          %dma_start3A_294 = arith.constant 0 : i32
          %dma_start3A_295 = tpu.memref_slice %arg2[%dma_start3A_293, %dma_start3A_294] : memref<50000x256xf32, #tpu.memory_space<hbm>> -> memref<50000x256xf32, #tpu.memory_space<hbm>>
          tpu.enqueue_indirect_dma source(%dma_start3A_295 : memref<50000x256xf32, #tpu.memory_space<hbm>>) target(%arg9 : memref<40x256xf32, #tpu.memory_space<vmem>>) offsets(%dma_start3A_292 : memref<40xi32, #tpu.memory_space<vmem>>) semaphore(%arg21 : memref<!tpu.dma_semaphore, #tpu.memory_space<semaphore_mem>>)
        } else {
        }
      } else {
      }
      %mul3A_166 = arith.constant 12 : i32
      %mul3A_167 = arith.muli %mul3A_166, %scan3A_132 : i32
      %add3A_168 = arith.constant 4 : i32
      %add3A_169 = arith.addi %mul3A_167, %add3A_168 : i32
      %lt3A_170 = arith.constant 157 : i32
      %lt3A_171 = arith.cmpi slt, %add3A_169, %lt3A_170 : i32
      %convert_element_type3A_172 = arith.extui %lt3A_171 : i1 to i32
      %cond3A_173 = arith.constant 0 : i32
      %cond3A_174 = arith.cmpi ne, %convert_element_type3A_172, %cond3A_173 : i32
      scf.if %cond3A_174 {
        %lt3A_238 = arith.constant 156 : i32
        %lt3A_239 = arith.cmpi slt, %add3A_169, %lt3A_238 : i32
        %mul3A_240 = arith.constant 40 : i32
        %mul3A_241 = arith.muli %add3A_169, %mul3A_240 : i32
        %sub3A_242 = arith.constant 40 : i32
        %sub3A_243 = arith.subi %sub3A, %sub3A_242 : i32
        %select_n3A_244 = arith.select %lt3A_239, %mul3A_241, %sub3A_243 : i32
        %multiple_of3A_245 = tpu.assume_multiple %select_n3A_244, 8 : i32
        %dma_wait3A = tpu.memref_slice %arg5[%multiple_of3A_245] : memref<6256xi32, #tpu.memory_space<vmem>> -> memref<40xi32, #tpu.memory_space<vmem>>
        %dma_wait3A_246 = arith.constant 0 : i32
        %dma_wait3A_247 = arith.constant 0 : i32
        %dma_wait3A_248 = tpu.memref_slice %arg2[%dma_wait3A_246, %dma_wait3A_247] : memref<50000x256xf32, #tpu.memory_space<hbm>> -> memref<50000x256xf32, #tpu.memory_space<hbm>>
        tpu.wait_indirect_dma semaphore(%arg22 : memref<!tpu.dma_semaphore, #tpu.memory_space<semaphore_mem>>) src(%dma_wait3A_248 : memref<50000x256xf32, #tpu.memory_space<hbm>>) dst(%arg10 : memref<40x256xf32, #tpu.memory_space<vmem>>)
        %lt3A_249 = arith.constant 156 : i32
        %lt3A_250 = arith.cmpi slt, %add3A_169, %lt3A_249 : i32
        %mul3A_251 = arith.constant 40 : i32
        %mul3A_252 = arith.muli %add3A_169, %mul3A_251 : i32
        %sub3A_253 = arith.constant 40 : i32
        %sub3A_254 = arith.subi %sub3A, %sub3A_253 : i32
        %select_n3A_255 = arith.select %lt3A_250, %mul3A_252, %sub3A_254 : i32
        %multiple_of3A_256 = tpu.assume_multiple %select_n3A_255, 8 : i32
        %add3A_257 = arith.addi %multiple_of3A, %multiple_of3A_256 : i32
        %dma_start3A_258 = arith.constant 0 : i32
        %dma_start3A_259 = tpu.memref_slice %arg4[%add3A_257, %dma_start3A_258] : memref<200000x256xf32, #tpu.memory_space<hbm>> -> memref<40x256xf32, #tpu.memory_space<hbm>>
        %dma_start3A_260 = arith.constant 0 : i32
        %dma_start3A_261 = tpu.memref_slice %arg4[%add3A_257, %dma_start3A_260] : memref<200000x256xf32, #tpu.memory_space<hbm>> -> memref<40x256xf32, #tpu.memory_space<hbm>>
        tpu.enqueue_dma source(%arg10 : memref<40x256xf32, #tpu.memory_space<vmem>>) target(%dma_start3A_261 : memref<40x256xf32, #tpu.memory_space<hbm>>) target_semaphore(%arg34 : memref<!tpu.dma_semaphore, #tpu.memory_space<semaphore_mem>>)
        %lt3A_262 = arith.constant 156 : i32
        %lt3A_263 = arith.cmpi slt, %add3A_169, %lt3A_262 : i32
        %mul3A_264 = arith.constant 40 : i32
        %mul3A_265 = arith.muli %add3A_169, %mul3A_264 : i32
        %sub3A_266 = arith.constant 40 : i32
        %sub3A_267 = arith.subi %sub3A, %sub3A_266 : i32
        %select_n3A_268 = arith.select %lt3A_263, %mul3A_265, %sub3A_267 : i32
        %multiple_of3A_269 = tpu.assume_multiple %select_n3A_268, 8 : i32
        %add3A_270 = arith.addi %multiple_of3A, %multiple_of3A_269 : i32
        %dma_wait3A_271 = arith.constant 0 : i32
        %dma_wait3A_272 = tpu.memref_slice %arg4[%add3A_270, %dma_wait3A_271] : memref<200000x256xf32, #tpu.memory_space<hbm>> -> memref<40x256xf32, #tpu.memory_space<hbm>>
        %dma_wait3A_273 = arith.constant 0 : i32
        %dma_wait3A_274 = tpu.memref_slice %arg4[%add3A_270, %dma_wait3A_273] : memref<200000x256xf32, #tpu.memory_space<hbm>> -> memref<40x256xf32, #tpu.memory_space<hbm>>
        tpu.wait_dma2 semaphore(%arg34 : memref<!tpu.dma_semaphore, #tpu.memory_space<semaphore_mem>>) src(%arg10 : memref<40x256xf32, #tpu.memory_space<vmem>>) dst(%dma_wait3A_274 : memref<40x256xf32, #tpu.memory_space<hbm>>)
        %add3A_275 = arith.constant 12 : i32
        %add3A_276 = arith.addi %add3A_169, %add3A_275 : i32
        %lt3A_277 = arith.constant 157 : i32
        %lt3A_278 = arith.cmpi slt, %add3A_276, %lt3A_277 : i32
        %convert_element_type3A_279 = arith.extui %lt3A_278 : i1 to i32
        %cond3A_280 = arith.constant 0 : i32
        %cond3A_281 = arith.cmpi ne, %convert_element_type3A_279, %cond3A_280 : i32
        scf.if %cond3A_281 {
          %add3A_282 = arith.constant 12 : i32
          %add3A_283 = arith.addi %add3A_169, %add3A_282 : i32
          %lt3A_284 = arith.constant 156 : i32
          %lt3A_285 = arith.cmpi slt, %add3A_283, %lt3A_284 : i32
          %mul3A_286 = arith.constant 40 : i32
          %mul3A_287 = arith.muli %add3A_283, %mul3A_286 : i32
          %sub3A_288 = arith.constant 40 : i32
          %sub3A_289 = arith.subi %sub3A, %sub3A_288 : i32
          %select_n3A_290 = arith.select %lt3A_285, %mul3A_287, %sub3A_289 : i32
          %multiple_of3A_291 = tpu.assume_multiple %select_n3A_290, 8 : i32
          %dma_start3A_292 = tpu.memref_slice %arg5[%multiple_of3A_291] : memref<6256xi32, #tpu.memory_space<vmem>> -> memref<40xi32, #tpu.memory_space<vmem>>
          %dma_start3A_293 = arith.constant 0 : i32
          %dma_start3A_294 = arith.constant 0 : i32
          %dma_start3A_295 = tpu.memref_slice %arg2[%dma_start3A_293, %dma_start3A_294] : memref<50000x256xf32, #tpu.memory_space<hbm>> -> memref<50000x256xf32, #tpu.memory_space<hbm>>
          tpu.enqueue_indirect_dma source(%dma_start3A_295 : memref<50000x256xf32, #tpu.memory_space<hbm>>) target(%arg10 : memref<40x256xf32, #tpu.memory_space<vmem>>) offsets(%dma_start3A_292 : memref<40xi32, #tpu.memory_space<vmem>>) semaphore(%arg22 : memref<!tpu.dma_semaphore, #tpu.memory_space<semaphore_mem>>)
        } else {
        }
      } else {
      }
      %mul3A_175 = arith.constant 12 : i32
      %mul3A_176 = arith.muli %mul3A_175, %scan3A_132 : i32
      %add3A_177 = arith.constant 5 : i32
      %add3A_178 = arith.addi %mul3A_176, %add3A_177 : i32
      %lt3A_179 = arith.constant 157 : i32
      %lt3A_180 = arith.cmpi slt, %add3A_178, %lt3A_179 : i32
      %convert_element_type3A_181 = arith.extui %lt3A_180 : i1 to i32
      %cond3A_182 = arith.constant 0 : i32
      %cond3A_183 = arith.cmpi ne, %convert_element_type3A_181, %cond3A_182 : i32
      scf.if %cond3A_183 {
        %lt3A_238 = arith.constant 156 : i32
        %lt3A_239 = arith.cmpi slt, %add3A_178, %lt3A_238 : i32
        %mul3A_240 = arith.constant 40 : i32
        %mul3A_241 = arith.muli %add3A_178, %mul3A_240 : i32
        %sub3A_242 = arith.constant 40 : i32
        %sub3A_243 = arith.subi %sub3A, %sub3A_242 : i32
        %select_n3A_244 = arith.select %lt3A_239, %mul3A_241, %sub3A_243 : i32
        %multiple_of3A_245 = tpu.assume_multiple %select_n3A_244, 8 : i32
        %dma_wait3A = tpu.memref_slice %arg5[%multiple_of3A_245] : memref<6256xi32, #tpu.memory_space<vmem>> -> memref<40xi32, #tpu.memory_space<vmem>>
        %dma_wait3A_246 = arith.constant 0 : i32
        %dma_wait3A_247 = arith.constant 0 : i32
        %dma_wait3A_248 = tpu.memref_slice %arg2[%dma_wait3A_246, %dma_wait3A_247] : memref<50000x256xf32, #tpu.memory_space<hbm>> -> memref<50000x256xf32, #tpu.memory_space<hbm>>
        tpu.wait_indirect_dma semaphore(%arg23 : memref<!tpu.dma_semaphore, #tpu.memory_space<semaphore_mem>>) src(%dma_wait3A_248 : memref<50000x256xf32, #tpu.memory_space<hbm>>) dst(%arg11 : memref<40x256xf32, #tpu.memory_space<vmem>>)
        %lt3A_249 = arith.constant 156 : i32
        %lt3A_250 = arith.cmpi slt, %add3A_178, %lt3A_249 : i32
        %mul3A_251 = arith.constant 40 : i32
        %mul3A_252 = arith.muli %add3A_178, %mul3A_251 : i32
        %sub3A_253 = arith.constant 40 : i32
        %sub3A_254 = arith.subi %sub3A, %sub3A_253 : i32
        %select_n3A_255 = arith.select %lt3A_250, %mul3A_252, %sub3A_254 : i32
        %multiple_of3A_256 = tpu.assume_multiple %select_n3A_255, 8 : i32
        %add3A_257 = arith.addi %multiple_of3A, %multiple_of3A_256 : i32
        %dma_start3A_258 = arith.constant 0 : i32
        %dma_start3A_259 = tpu.memref_slice %arg4[%add3A_257, %dma_start3A_258] : memref<200000x256xf32, #tpu.memory_space<hbm>> -> memref<40x256xf32, #tpu.memory_space<hbm>>
        %dma_start3A_260 = arith.constant 0 : i32
        %dma_start3A_261 = tpu.memref_slice %arg4[%add3A_257, %dma_start3A_260] : memref<200000x256xf32, #tpu.memory_space<hbm>> -> memref<40x256xf32, #tpu.memory_space<hbm>>
        tpu.enqueue_dma source(%arg11 : memref<40x256xf32, #tpu.memory_space<vmem>>) target(%dma_start3A_261 : memref<40x256xf32, #tpu.memory_space<hbm>>) target_semaphore(%arg35 : memref<!tpu.dma_semaphore, #tpu.memory_space<semaphore_mem>>)
        %lt3A_262 = arith.constant 156 : i32
        %lt3A_263 = arith.cmpi slt, %add3A_178, %lt3A_262 : i32
        %mul3A_264 = arith.constant 40 : i32
        %mul3A_265 = arith.muli %add3A_178, %mul3A_264 : i32
        %sub3A_266 = arith.constant 40 : i32
        %sub3A_267 = arith.subi %sub3A, %sub3A_266 : i32
        %select_n3A_268 = arith.select %lt3A_263, %mul3A_265, %sub3A_267 : i32
        %multiple_of3A_269 = tpu.assume_multiple %select_n3A_268, 8 : i32
        %add3A_270 = arith.addi %multiple_of3A, %multiple_of3A_269 : i32
        %dma_wait3A_271 = arith.constant 0 : i32
        %dma_wait3A_272 = tpu.memref_slice %arg4[%add3A_270, %dma_wait3A_271] : memref<200000x256xf32, #tpu.memory_space<hbm>> -> memref<40x256xf32, #tpu.memory_space<hbm>>
        %dma_wait3A_273 = arith.constant 0 : i32
        %dma_wait3A_274 = tpu.memref_slice %arg4[%add3A_270, %dma_wait3A_273] : memref<200000x256xf32, #tpu.memory_space<hbm>> -> memref<40x256xf32, #tpu.memory_space<hbm>>
        tpu.wait_dma2 semaphore(%arg35 : memref<!tpu.dma_semaphore, #tpu.memory_space<semaphore_mem>>) src(%arg11 : memref<40x256xf32, #tpu.memory_space<vmem>>) dst(%dma_wait3A_274 : memref<40x256xf32, #tpu.memory_space<hbm>>)
        %add3A_275 = arith.constant 12 : i32
        %add3A_276 = arith.addi %add3A_178, %add3A_275 : i32
        %lt3A_277 = arith.constant 157 : i32
        %lt3A_278 = arith.cmpi slt, %add3A_276, %lt3A_277 : i32
        %convert_element_type3A_279 = arith.extui %lt3A_278 : i1 to i32
        %cond3A_280 = arith.constant 0 : i32
        %cond3A_281 = arith.cmpi ne, %convert_element_type3A_279, %cond3A_280 : i32
        scf.if %cond3A_281 {
          %add3A_282 = arith.constant 12 : i32
          %add3A_283 = arith.addi %add3A_178, %add3A_282 : i32
          %lt3A_284 = arith.constant 156 : i32
          %lt3A_285 = arith.cmpi slt, %add3A_283, %lt3A_284 : i32
          %mul3A_286 = arith.constant 40 : i32
          %mul3A_287 = arith.muli %add3A_283, %mul3A_286 : i32
          %sub3A_288 = arith.constant 40 : i32
          %sub3A_289 = arith.subi %sub3A, %sub3A_288 : i32
          %select_n3A_290 = arith.select %lt3A_285, %mul3A_287, %sub3A_289 : i32
          %multiple_of3A_291 = tpu.assume_multiple %select_n3A_290, 8 : i32
          %dma_start3A_292 = tpu.memref_slice %arg5[%multiple_of3A_291] : memref<6256xi32, #tpu.memory_space<vmem>> -> memref<40xi32, #tpu.memory_space<vmem>>
          %dma_start3A_293 = arith.constant 0 : i32
          %dma_start3A_294 = arith.constant 0 : i32
          %dma_start3A_295 = tpu.memref_slice %arg2[%dma_start3A_293, %dma_start3A_294] : memref<50000x256xf32, #tpu.memory_space<hbm>> -> memref<50000x256xf32, #tpu.memory_space<hbm>>
          tpu.enqueue_indirect_dma source(%dma_start3A_295 : memref<50000x256xf32, #tpu.memory_space<hbm>>) target(%arg11 : memref<40x256xf32, #tpu.memory_space<vmem>>) offsets(%dma_start3A_292 : memref<40xi32, #tpu.memory_space<vmem>>) semaphore(%arg23 : memref<!tpu.dma_semaphore, #tpu.memory_space<semaphore_mem>>)
        } else {
        }
      } else {
      }
      %mul3A_184 = arith.constant 12 : i32
      %mul3A_185 = arith.muli %mul3A_184, %scan3A_132 : i32
      %add3A_186 = arith.constant 6 : i32
      %add3A_187 = arith.addi %mul3A_185, %add3A_186 : i32
      %lt3A_188 = arith.constant 157 : i32
      %lt3A_189 = arith.cmpi slt, %add3A_187, %lt3A_188 : i32
      %convert_element_type3A_190 = arith.extui %lt3A_189 : i1 to i32
      %cond3A_191 = arith.constant 0 : i32
      %cond3A_192 = arith.cmpi ne, %convert_element_type3A_190, %cond3A_191 : i32
      scf.if %cond3A_192 {
        %lt3A_238 = arith.constant 156 : i32
        %lt3A_239 = arith.cmpi slt, %add3A_187, %lt3A_238 : i32
        %mul3A_240 = arith.constant 40 : i32
        %mul3A_241 = arith.muli %add3A_187, %mul3A_240 : i32
        %sub3A_242 = arith.constant 40 : i32
        %sub3A_243 = arith.subi %sub3A, %sub3A_242 : i32
        %select_n3A_244 = arith.select %lt3A_239, %mul3A_241, %sub3A_243 : i32
        %multiple_of3A_245 = tpu.assume_multiple %select_n3A_244, 8 : i32
        %dma_wait3A = tpu.memref_slice %arg5[%multiple_of3A_245] : memref<6256xi32, #tpu.memory_space<vmem>> -> memref<40xi32, #tpu.memory_space<vmem>>
        %dma_wait3A_246 = arith.constant 0 : i32
        %dma_wait3A_247 = arith.constant 0 : i32
        %dma_wait3A_248 = tpu.memref_slice %arg2[%dma_wait3A_246, %dma_wait3A_247] : memref<50000x256xf32, #tpu.memory_space<hbm>> -> memref<50000x256xf32, #tpu.memory_space<hbm>>
        tpu.wait_indirect_dma semaphore(%arg24 : memref<!tpu.dma_semaphore, #tpu.memory_space<semaphore_mem>>) src(%dma_wait3A_248 : memref<50000x256xf32, #tpu.memory_space<hbm>>) dst(%arg12 : memref<40x256xf32, #tpu.memory_space<vmem>>)
        %lt3A_249 = arith.constant 156 : i32
        %lt3A_250 = arith.cmpi slt, %add3A_187, %lt3A_249 : i32
        %mul3A_251 = arith.constant 40 : i32
        %mul3A_252 = arith.muli %add3A_187, %mul3A_251 : i32
        %sub3A_253 = arith.constant 40 : i32
        %sub3A_254 = arith.subi %sub3A, %sub3A_253 : i32
        %select_n3A_255 = arith.select %lt3A_250, %mul3A_252, %sub3A_254 : i32
        %multiple_of3A_256 = tpu.assume_multiple %select_n3A_255, 8 : i32
        %add3A_257 = arith.addi %multiple_of3A, %multiple_of3A_256 : i32
        %dma_start3A_258 = arith.constant 0 : i32
        %dma_start3A_259 = tpu.memref_slice %arg4[%add3A_257, %dma_start3A_258] : memref<200000x256xf32, #tpu.memory_space<hbm>> -> memref<40x256xf32, #tpu.memory_space<hbm>>
        %dma_start3A_260 = arith.constant 0 : i32
        %dma_start3A_261 = tpu.memref_slice %arg4[%add3A_257, %dma_start3A_260] : memref<200000x256xf32, #tpu.memory_space<hbm>> -> memref<40x256xf32, #tpu.memory_space<hbm>>
        tpu.enqueue_dma source(%arg12 : memref<40x256xf32, #tpu.memory_space<vmem>>) target(%dma_start3A_261 : memref<40x256xf32, #tpu.memory_space<hbm>>) target_semaphore(%arg36 : memref<!tpu.dma_semaphore, #tpu.memory_space<semaphore_mem>>)
        %lt3A_262 = arith.constant 156 : i32
        %lt3A_263 = arith.cmpi slt, %add3A_187, %lt3A_262 : i32
        %mul3A_264 = arith.constant 40 : i32
        %mul3A_265 = arith.muli %add3A_187, %mul3A_264 : i32
        %sub3A_266 = arith.constant 40 : i32
        %sub3A_267 = arith.subi %sub3A, %sub3A_266 : i32
        %select_n3A_268 = arith.select %lt3A_263, %mul3A_265, %sub3A_267 : i32
        %multiple_of3A_269 = tpu.assume_multiple %select_n3A_268, 8 : i32
        %add3A_270 = arith.addi %multiple_of3A, %multiple_of3A_269 : i32
        %dma_wait3A_271 = arith.constant 0 : i32
        %dma_wait3A_272 = tpu.memref_slice %arg4[%add3A_270, %dma_wait3A_271] : memref<200000x256xf32, #tpu.memory_space<hbm>> -> memref<40x256xf32, #tpu.memory_space<hbm>>
        %dma_wait3A_273 = arith.constant 0 : i32
        %dma_wait3A_274 = tpu.memref_slice %arg4[%add3A_270, %dma_wait3A_273] : memref<200000x256xf32, #tpu.memory_space<hbm>> -> memref<40x256xf32, #tpu.memory_space<hbm>>
        tpu.wait_dma2 semaphore(%arg36 : memref<!tpu.dma_semaphore, #tpu.memory_space<semaphore_mem>>) src(%arg12 : memref<40x256xf32, #tpu.memory_space<vmem>>) dst(%dma_wait3A_274 : memref<40x256xf32, #tpu.memory_space<hbm>>)
        %add3A_275 = arith.constant 12 : i32
        %add3A_276 = arith.addi %add3A_187, %add3A_275 : i32
        %lt3A_277 = arith.constant 157 : i32
        %lt3A_278 = arith.cmpi slt, %add3A_276, %lt3A_277 : i32
        %convert_element_type3A_279 = arith.extui %lt3A_278 : i1 to i32
        %cond3A_280 = arith.constant 0 : i32
        %cond3A_281 = arith.cmpi ne, %convert_element_type3A_279, %cond3A_280 : i32
        scf.if %cond3A_281 {
          %add3A_282 = arith.constant 12 : i32
          %add3A_283 = arith.addi %add3A_187, %add3A_282 : i32
          %lt3A_284 = arith.constant 156 : i32
          %lt3A_285 = arith.cmpi slt, %add3A_283, %lt3A_284 : i32
          %mul3A_286 = arith.constant 40 : i32
          %mul3A_287 = arith.muli %add3A_283, %mul3A_286 : i32
          %sub3A_288 = arith.constant 40 : i32
          %sub3A_289 = arith.subi %sub3A, %sub3A_288 : i32
          %select_n3A_290 = arith.select %lt3A_285, %mul3A_287, %sub3A_289 : i32
          %multiple_of3A_291 = tpu.assume_multiple %select_n3A_290, 8 : i32
          %dma_start3A_292 = tpu.memref_slice %arg5[%multiple_of3A_291] : memref<6256xi32, #tpu.memory_space<vmem>> -> memref<40xi32, #tpu.memory_space<vmem>>
          %dma_start3A_293 = arith.constant 0 : i32
          %dma_start3A_294 = arith.constant 0 : i32
          %dma_start3A_295 = tpu.memref_slice %arg2[%dma_start3A_293, %dma_start3A_294] : memref<50000x256xf32, #tpu.memory_space<hbm>> -> memref<50000x256xf32, #tpu.memory_space<hbm>>
          tpu.enqueue_indirect_dma source(%dma_start3A_295 : memref<50000x256xf32, #tpu.memory_space<hbm>>) target(%arg12 : memref<40x256xf32, #tpu.memory_space<vmem>>) offsets(%dma_start3A_292 : memref<40xi32, #tpu.memory_space<vmem>>) semaphore(%arg24 : memref<!tpu.dma_semaphore, #tpu.memory_space<semaphore_mem>>)
        } else {
        }
      } else {
      }
      %mul3A_193 = arith.constant 12 : i32
      %mul3A_194 = arith.muli %mul3A_193, %scan3A_132 : i32
      %add3A_195 = arith.constant 7 : i32
      %add3A_196 = arith.addi %mul3A_194, %add3A_195 : i32
      %lt3A_197 = arith.constant 157 : i32
      %lt3A_198 = arith.cmpi slt, %add3A_196, %lt3A_197 : i32
      %convert_element_type3A_199 = arith.extui %lt3A_198 : i1 to i32
      %cond3A_200 = arith.constant 0 : i32
      %cond3A_201 = arith.cmpi ne, %convert_element_type3A_199, %cond3A_200 : i32
      scf.if %cond3A_201 {
        %lt3A_238 = arith.constant 156 : i32
        %lt3A_239 = arith.cmpi slt, %add3A_196, %lt3A_238 : i32
        %mul3A_240 = arith.constant 40 : i32
        %mul3A_241 = arith.muli %add3A_196, %mul3A_240 : i32
        %sub3A_242 = arith.constant 40 : i32
        %sub3A_243 = arith.subi %sub3A, %sub3A_242 : i32
        %select_n3A_244 = arith.select %lt3A_239, %mul3A_241, %sub3A_243 : i32
        %multiple_of3A_245 = tpu.assume_multiple %select_n3A_244, 8 : i32
        %dma_wait3A = tpu.memref_slice %arg5[%multiple_of3A_245] : memref<6256xi32, #tpu.memory_space<vmem>> -> memref<40xi32, #tpu.memory_space<vmem>>
        %dma_wait3A_246 = arith.constant 0 : i32
        %dma_wait3A_247 = arith.constant 0 : i32
        %dma_wait3A_248 = tpu.memref_slice %arg2[%dma_wait3A_246, %dma_wait3A_247] : memref<50000x256xf32, #tpu.memory_space<hbm>> -> memref<50000x256xf32, #tpu.memory_space<hbm>>
        tpu.wait_indirect_dma semaphore(%arg25 : memref<!tpu.dma_semaphore, #tpu.memory_space<semaphore_mem>>) src(%dma_wait3A_248 : memref<50000x256xf32, #tpu.memory_space<hbm>>) dst(%arg13 : memref<40x256xf32, #tpu.memory_space<vmem>>)
        %lt3A_249 = arith.constant 156 : i32
        %lt3A_250 = arith.cmpi slt, %add3A_196, %lt3A_249 : i32
        %mul3A_251 = arith.constant 40 : i32
        %mul3A_252 = arith.muli %add3A_196, %mul3A_251 : i32
        %sub3A_253 = arith.constant 40 : i32
        %sub3A_254 = arith.subi %sub3A, %sub3A_253 : i32
        %select_n3A_255 = arith.select %lt3A_250, %mul3A_252, %sub3A_254 : i32
        %multiple_of3A_256 = tpu.assume_multiple %select_n3A_255, 8 : i32
        %add3A_257 = arith.addi %multiple_of3A, %multiple_of3A_256 : i32
        %dma_start3A_258 = arith.constant 0 : i32
        %dma_start3A_259 = tpu.memref_slice %arg4[%add3A_257, %dma_start3A_258] : memref<200000x256xf32, #tpu.memory_space<hbm>> -> memref<40x256xf32, #tpu.memory_space<hbm>>
        %dma_start3A_260 = arith.constant 0 : i32
        %dma_start3A_261 = tpu.memref_slice %arg4[%add3A_257, %dma_start3A_260] : memref<200000x256xf32, #tpu.memory_space<hbm>> -> memref<40x256xf32, #tpu.memory_space<hbm>>
        tpu.enqueue_dma source(%arg13 : memref<40x256xf32, #tpu.memory_space<vmem>>) target(%dma_start3A_261 : memref<40x256xf32, #tpu.memory_space<hbm>>) target_semaphore(%arg37 : memref<!tpu.dma_semaphore, #tpu.memory_space<semaphore_mem>>)
        %lt3A_262 = arith.constant 156 : i32
        %lt3A_263 = arith.cmpi slt, %add3A_196, %lt3A_262 : i32
        %mul3A_264 = arith.constant 40 : i32
        %mul3A_265 = arith.muli %add3A_196, %mul3A_264 : i32
        %sub3A_266 = arith.constant 40 : i32
        %sub3A_267 = arith.subi %sub3A, %sub3A_266 : i32
        %select_n3A_268 = arith.select %lt3A_263, %mul3A_265, %sub3A_267 : i32
        %multiple_of3A_269 = tpu.assume_multiple %select_n3A_268, 8 : i32
        %add3A_270 = arith.addi %multiple_of3A, %multiple_of3A_269 : i32
        %dma_wait3A_271 = arith.constant 0 : i32
        %dma_wait3A_272 = tpu.memref_slice %arg4[%add3A_270, %dma_wait3A_271] : memref<200000x256xf32, #tpu.memory_space<hbm>> -> memref<40x256xf32, #tpu.memory_space<hbm>>
        %dma_wait3A_273 = arith.constant 0 : i32
        %dma_wait3A_274 = tpu.memref_slice %arg4[%add3A_270, %dma_wait3A_273] : memref<200000x256xf32, #tpu.memory_space<hbm>> -> memref<40x256xf32, #tpu.memory_space<hbm>>
        tpu.wait_dma2 semaphore(%arg37 : memref<!tpu.dma_semaphore, #tpu.memory_space<semaphore_mem>>) src(%arg13 : memref<40x256xf32, #tpu.memory_space<vmem>>) dst(%dma_wait3A_274 : memref<40x256xf32, #tpu.memory_space<hbm>>)
        %add3A_275 = arith.constant 12 : i32
        %add3A_276 = arith.addi %add3A_196, %add3A_275 : i32
        %lt3A_277 = arith.constant 157 : i32
        %lt3A_278 = arith.cmpi slt, %add3A_276, %lt3A_277 : i32
        %convert_element_type3A_279 = arith.extui %lt3A_278 : i1 to i32
        %cond3A_280 = arith.constant 0 : i32
        %cond3A_281 = arith.cmpi ne, %convert_element_type3A_279, %cond3A_280 : i32
        scf.if %cond3A_281 {
          %add3A_282 = arith.constant 12 : i32
          %add3A_283 = arith.addi %add3A_196, %add3A_282 : i32
          %lt3A_284 = arith.constant 156 : i32
          %lt3A_285 = arith.cmpi slt, %add3A_283, %lt3A_284 : i32
          %mul3A_286 = arith.constant 40 : i32
          %mul3A_287 = arith.muli %add3A_283, %mul3A_286 : i32
          %sub3A_288 = arith.constant 40 : i32
          %sub3A_289 = arith.subi %sub3A, %sub3A_288 : i32
          %select_n3A_290 = arith.select %lt3A_285, %mul3A_287, %sub3A_289 : i32
          %multiple_of3A_291 = tpu.assume_multiple %select_n3A_290, 8 : i32
          %dma_start3A_292 = tpu.memref_slice %arg5[%multiple_of3A_291] : memref<6256xi32, #tpu.memory_space<vmem>> -> memref<40xi32, #tpu.memory_space<vmem>>
          %dma_start3A_293 = arith.constant 0 : i32
          %dma_start3A_294 = arith.constant 0 : i32
          %dma_start3A_295 = tpu.memref_slice %arg2[%dma_start3A_293, %dma_start3A_294] : memref<50000x256xf32, #tpu.memory_space<hbm>> -> memref<50000x256xf32, #tpu.memory_space<hbm>>
          tpu.enqueue_indirect_dma source(%dma_start3A_295 : memref<50000x256xf32, #tpu.memory_space<hbm>>) target(%arg13 : memref<40x256xf32, #tpu.memory_space<vmem>>) offsets(%dma_start3A_292 : memref<40xi32, #tpu.memory_space<vmem>>) semaphore(%arg25 : memref<!tpu.dma_semaphore, #tpu.memory_space<semaphore_mem>>)
        } else {
        }
      } else {
      }
      %mul3A_202 = arith.constant 12 : i32
      %mul3A_203 = arith.muli %mul3A_202, %scan3A_132 : i32
      %add3A_204 = arith.constant 8 : i32
      %add3A_205 = arith.addi %mul3A_203, %add3A_204 : i32
      %lt3A_206 = arith.constant 157 : i32
      %lt3A_207 = arith.cmpi slt, %add3A_205, %lt3A_206 : i32
      %convert_element_type3A_208 = arith.extui %lt3A_207 : i1 to i32
      %cond3A_209 = arith.constant 0 : i32
      %cond3A_210 = arith.cmpi ne, %convert_element_type3A_208, %cond3A_209 : i32
      scf.if %cond3A_210 {
        %lt3A_238 = arith.constant 156 : i32
        %lt3A_239 = arith.cmpi slt, %add3A_205, %lt3A_238 : i32
        %mul3A_240 = arith.constant 40 : i32
        %mul3A_241 = arith.muli %add3A_205, %mul3A_240 : i32
        %sub3A_242 = arith.constant 40 : i32
        %sub3A_243 = arith.subi %sub3A, %sub3A_242 : i32
        %select_n3A_244 = arith.select %lt3A_239, %mul3A_241, %sub3A_243 : i32
        %multiple_of3A_245 = tpu.assume_multiple %select_n3A_244, 8 : i32
        %dma_wait3A = tpu.memref_slice %arg5[%multiple_of3A_245] : memref<6256xi32, #tpu.memory_space<vmem>> -> memref<40xi32, #tpu.memory_space<vmem>>
        %dma_wait3A_246 = arith.constant 0 : i32
        %dma_wait3A_247 = arith.constant 0 : i32
        %dma_wait3A_248 = tpu.memref_slice %arg2[%dma_wait3A_246, %dma_wait3A_247] : memref<50000x256xf32, #tpu.memory_space<hbm>> -> memref<50000x256xf32, #tpu.memory_space<hbm>>
        tpu.wait_indirect_dma semaphore(%arg26 : memref<!tpu.dma_semaphore, #tpu.memory_space<semaphore_mem>>) src(%dma_wait3A_248 : memref<50000x256xf32, #tpu.memory_space<hbm>>) dst(%arg14 : memref<40x256xf32, #tpu.memory_space<vmem>>)
        %lt3A_249 = arith.constant 156 : i32
        %lt3A_250 = arith.cmpi slt, %add3A_205, %lt3A_249 : i32
        %mul3A_251 = arith.constant 40 : i32
        %mul3A_252 = arith.muli %add3A_205, %mul3A_251 : i32
        %sub3A_253 = arith.constant 40 : i32
        %sub3A_254 = arith.subi %sub3A, %sub3A_253 : i32
        %select_n3A_255 = arith.select %lt3A_250, %mul3A_252, %sub3A_254 : i32
        %multiple_of3A_256 = tpu.assume_multiple %select_n3A_255, 8 : i32
        %add3A_257 = arith.addi %multiple_of3A, %multiple_of3A_256 : i32
        %dma_start3A_258 = arith.constant 0 : i32
        %dma_start3A_259 = tpu.memref_slice %arg4[%add3A_257, %dma_start3A_258] : memref<200000x256xf32, #tpu.memory_space<hbm>> -> memref<40x256xf32, #tpu.memory_space<hbm>>
        %dma_start3A_260 = arith.constant 0 : i32
        %dma_start3A_261 = tpu.memref_slice %arg4[%add3A_257, %dma_start3A_260] : memref<200000x256xf32, #tpu.memory_space<hbm>> -> memref<40x256xf32, #tpu.memory_space<hbm>>
        tpu.enqueue_dma source(%arg14 : memref<40x256xf32, #tpu.memory_space<vmem>>) target(%dma_start3A_261 : memref<40x256xf32, #tpu.memory_space<hbm>>) target_semaphore(%arg38 : memref<!tpu.dma_semaphore, #tpu.memory_space<semaphore_mem>>)
        %lt3A_262 = arith.constant 156 : i32
        %lt3A_263 = arith.cmpi slt, %add3A_205, %lt3A_262 : i32
        %mul3A_264 = arith.constant 40 : i32
        %mul3A_265 = arith.muli %add3A_205, %mul3A_264 : i32
        %sub3A_266 = arith.constant 40 : i32
        %sub3A_267 = arith.subi %sub3A, %sub3A_266 : i32
        %select_n3A_268 = arith.select %lt3A_263, %mul3A_265, %sub3A_267 : i32
        %multiple_of3A_269 = tpu.assume_multiple %select_n3A_268, 8 : i32
        %add3A_270 = arith.addi %multiple_of3A, %multiple_of3A_269 : i32
        %dma_wait3A_271 = arith.constant 0 : i32
        %dma_wait3A_272 = tpu.memref_slice %arg4[%add3A_270, %dma_wait3A_271] : memref<200000x256xf32, #tpu.memory_space<hbm>> -> memref<40x256xf32, #tpu.memory_space<hbm>>
        %dma_wait3A_273 = arith.constant 0 : i32
        %dma_wait3A_274 = tpu.memref_slice %arg4[%add3A_270, %dma_wait3A_273] : memref<200000x256xf32, #tpu.memory_space<hbm>> -> memref<40x256xf32, #tpu.memory_space<hbm>>
        tpu.wait_dma2 semaphore(%arg38 : memref<!tpu.dma_semaphore, #tpu.memory_space<semaphore_mem>>) src(%arg14 : memref<40x256xf32, #tpu.memory_space<vmem>>) dst(%dma_wait3A_274 : memref<40x256xf32, #tpu.memory_space<hbm>>)
        %add3A_275 = arith.constant 12 : i32
        %add3A_276 = arith.addi %add3A_205, %add3A_275 : i32
        %lt3A_277 = arith.constant 157 : i32
        %lt3A_278 = arith.cmpi slt, %add3A_276, %lt3A_277 : i32
        %convert_element_type3A_279 = arith.extui %lt3A_278 : i1 to i32
        %cond3A_280 = arith.constant 0 : i32
        %cond3A_281 = arith.cmpi ne, %convert_element_type3A_279, %cond3A_280 : i32
        scf.if %cond3A_281 {
          %add3A_282 = arith.constant 12 : i32
          %add3A_283 = arith.addi %add3A_205, %add3A_282 : i32
          %lt3A_284 = arith.constant 156 : i32
          %lt3A_285 = arith.cmpi slt, %add3A_283, %lt3A_284 : i32
          %mul3A_286 = arith.constant 40 : i32
          %mul3A_287 = arith.muli %add3A_283, %mul3A_286 : i32
          %sub3A_288 = arith.constant 40 : i32
          %sub3A_289 = arith.subi %sub3A, %sub3A_288 : i32
          %select_n3A_290 = arith.select %lt3A_285, %mul3A_287, %sub3A_289 : i32
          %multiple_of3A_291 = tpu.assume_multiple %select_n3A_290, 8 : i32
          %dma_start3A_292 = tpu.memref_slice %arg5[%multiple_of3A_291] : memref<6256xi32, #tpu.memory_space<vmem>> -> memref<40xi32, #tpu.memory_space<vmem>>
          %dma_start3A_293 = arith.constant 0 : i32
          %dma_start3A_294 = arith.constant 0 : i32
          %dma_start3A_295 = tpu.memref_slice %arg2[%dma_start3A_293, %dma_start3A_294] : memref<50000x256xf32, #tpu.memory_space<hbm>> -> memref<50000x256xf32, #tpu.memory_space<hbm>>
          tpu.enqueue_indirect_dma source(%dma_start3A_295 : memref<50000x256xf32, #tpu.memory_space<hbm>>) target(%arg14 : memref<40x256xf32, #tpu.memory_space<vmem>>) offsets(%dma_start3A_292 : memref<40xi32, #tpu.memory_space<vmem>>) semaphore(%arg26 : memref<!tpu.dma_semaphore, #tpu.memory_space<semaphore_mem>>)
        } else {
        }
      } else {
      }
      %mul3A_211 = arith.constant 12 : i32
      %mul3A_212 = arith.muli %mul3A_211, %scan3A_132 : i32
      %add3A_213 = arith.constant 9 : i32
      %add3A_214 = arith.addi %mul3A_212, %add3A_213 : i32
      %lt3A_215 = arith.constant 157 : i32
      %lt3A_216 = arith.cmpi slt, %add3A_214, %lt3A_215 : i32
      %convert_element_type3A_217 = arith.extui %lt3A_216 : i1 to i32
      %cond3A_218 = arith.constant 0 : i32
      %cond3A_219 = arith.cmpi ne, %convert_element_type3A_217, %cond3A_218 : i32
      scf.if %cond3A_219 {
        %lt3A_238 = arith.constant 156 : i32
        %lt3A_239 = arith.cmpi slt, %add3A_214, %lt3A_238 : i32
        %mul3A_240 = arith.constant 40 : i32
        %mul3A_241 = arith.muli %add3A_214, %mul3A_240 : i32
        %sub3A_242 = arith.constant 40 : i32
        %sub3A_243 = arith.subi %sub3A, %sub3A_242 : i32
        %select_n3A_244 = arith.select %lt3A_239, %mul3A_241, %sub3A_243 : i32
        %multiple_of3A_245 = tpu.assume_multiple %select_n3A_244, 8 : i32
        %dma_wait3A = tpu.memref_slice %arg5[%multiple_of3A_245] : memref<6256xi32, #tpu.memory_space<vmem>> -> memref<40xi32, #tpu.memory_space<vmem>>
        %dma_wait3A_246 = arith.constant 0 : i32
        %dma_wait3A_247 = arith.constant 0 : i32
        %dma_wait3A_248 = tpu.memref_slice %arg2[%dma_wait3A_246, %dma_wait3A_247] : memref<50000x256xf32, #tpu.memory_space<hbm>> -> memref<50000x256xf32, #tpu.memory_space<hbm>>
        tpu.wait_indirect_dma semaphore(%arg27 : memref<!tpu.dma_semaphore, #tpu.memory_space<semaphore_mem>>) src(%dma_wait3A_248 : memref<50000x256xf32, #tpu.memory_space<hbm>>) dst(%arg15 : memref<40x256xf32, #tpu.memory_space<vmem>>)
        %lt3A_249 = arith.constant 156 : i32
        %lt3A_250 = arith.cmpi slt, %add3A_214, %lt3A_249 : i32
        %mul3A_251 = arith.constant 40 : i32
        %mul3A_252 = arith.muli %add3A_214, %mul3A_251 : i32
        %sub3A_253 = arith.constant 40 : i32
        %sub3A_254 = arith.subi %sub3A, %sub3A_253 : i32
        %select_n3A_255 = arith.select %lt3A_250, %mul3A_252, %sub3A_254 : i32
        %multiple_of3A_256 = tpu.assume_multiple %select_n3A_255, 8 : i32
        %add3A_257 = arith.addi %multiple_of3A, %multiple_of3A_256 : i32
        %dma_start3A_258 = arith.constant 0 : i32
        %dma_start3A_259 = tpu.memref_slice %arg4[%add3A_257, %dma_start3A_258] : memref<200000x256xf32, #tpu.memory_space<hbm>> -> memref<40x256xf32, #tpu.memory_space<hbm>>
        %dma_start3A_260 = arith.constant 0 : i32
        %dma_start3A_261 = tpu.memref_slice %arg4[%add3A_257, %dma_start3A_260] : memref<200000x256xf32, #tpu.memory_space<hbm>> -> memref<40x256xf32, #tpu.memory_space<hbm>>
        tpu.enqueue_dma source(%arg15 : memref<40x256xf32, #tpu.memory_space<vmem>>) target(%dma_start3A_261 : memref<40x256xf32, #tpu.memory_space<hbm>>) target_semaphore(%arg39 : memref<!tpu.dma_semaphore, #tpu.memory_space<semaphore_mem>>)
        %lt3A_262 = arith.constant 156 : i32
        %lt3A_263 = arith.cmpi slt, %add3A_214, %lt3A_262 : i32
        %mul3A_264 = arith.constant 40 : i32
        %mul3A_265 = arith.muli %add3A_214, %mul3A_264 : i32
        %sub3A_266 = arith.constant 40 : i32
        %sub3A_267 = arith.subi %sub3A, %sub3A_266 : i32
        %select_n3A_268 = arith.select %lt3A_263, %mul3A_265, %sub3A_267 : i32
        %multiple_of3A_269 = tpu.assume_multiple %select_n3A_268, 8 : i32
        %add3A_270 = arith.addi %multiple_of3A, %multiple_of3A_269 : i32
        %dma_wait3A_271 = arith.constant 0 : i32
        %dma_wait3A_272 = tpu.memref_slice %arg4[%add3A_270, %dma_wait3A_271] : memref<200000x256xf32, #tpu.memory_space<hbm>> -> memref<40x256xf32, #tpu.memory_space<hbm>>
        %dma_wait3A_273 = arith.constant 0 : i32
        %dma_wait3A_274 = tpu.memref_slice %arg4[%add3A_270, %dma_wait3A_273] : memref<200000x256xf32, #tpu.memory_space<hbm>> -> memref<40x256xf32, #tpu.memory_space<hbm>>
        tpu.wait_dma2 semaphore(%arg39 : memref<!tpu.dma_semaphore, #tpu.memory_space<semaphore_mem>>) src(%arg15 : memref<40x256xf32, #tpu.memory_space<vmem>>) dst(%dma_wait3A_274 : memref<40x256xf32, #tpu.memory_space<hbm>>)
        %add3A_275 = arith.constant 12 : i32
        %add3A_276 = arith.addi %add3A_214, %add3A_275 : i32
        %lt3A_277 = arith.constant 157 : i32
        %lt3A_278 = arith.cmpi slt, %add3A_276, %lt3A_277 : i32
        %convert_element_type3A_279 = arith.extui %lt3A_278 : i1 to i32
        %cond3A_280 = arith.constant 0 : i32
        %cond3A_281 = arith.cmpi ne, %convert_element_type3A_279, %cond3A_280 : i32
        scf.if %cond3A_281 {
          %add3A_282 = arith.constant 12 : i32
          %add3A_283 = arith.addi %add3A_214, %add3A_282 : i32
          %lt3A_284 = arith.constant 156 : i32
          %lt3A_285 = arith.cmpi slt, %add3A_283, %lt3A_284 : i32
          %mul3A_286 = arith.constant 40 : i32
          %mul3A_287 = arith.muli %add3A_283, %mul3A_286 : i32
          %sub3A_288 = arith.constant 40 : i32
          %sub3A_289 = arith.subi %sub3A, %sub3A_288 : i32
          %select_n3A_290 = arith.select %lt3A_285, %mul3A_287, %sub3A_289 : i32
          %multiple_of3A_291 = tpu.assume_multiple %select_n3A_290, 8 : i32
          %dma_start3A_292 = tpu.memref_slice %arg5[%multiple_of3A_291] : memref<6256xi32, #tpu.memory_space<vmem>> -> memref<40xi32, #tpu.memory_space<vmem>>
          %dma_start3A_293 = arith.constant 0 : i32
          %dma_start3A_294 = arith.constant 0 : i32
          %dma_start3A_295 = tpu.memref_slice %arg2[%dma_start3A_293, %dma_start3A_294] : memref<50000x256xf32, #tpu.memory_space<hbm>> -> memref<50000x256xf32, #tpu.memory_space<hbm>>
          tpu.enqueue_indirect_dma source(%dma_start3A_295 : memref<50000x256xf32, #tpu.memory_space<hbm>>) target(%arg15 : memref<40x256xf32, #tpu.memory_space<vmem>>) offsets(%dma_start3A_292 : memref<40xi32, #tpu.memory_space<vmem>>) semaphore(%arg27 : memref<!tpu.dma_semaphore, #tpu.memory_space<semaphore_mem>>)
        } else {
        }
      } else {
      }
      %mul3A_220 = arith.constant 12 : i32
      %mul3A_221 = arith.muli %mul3A_220, %scan3A_132 : i32
      %add3A_222 = arith.constant 10 : i32
      %add3A_223 = arith.addi %mul3A_221, %add3A_222 : i32
      %lt3A_224 = arith.constant 157 : i32
      %lt3A_225 = arith.cmpi slt, %add3A_223, %lt3A_224 : i32
      %convert_element_type3A_226 = arith.extui %lt3A_225 : i1 to i32
      %cond3A_227 = arith.constant 0 : i32
      %cond3A_228 = arith.cmpi ne, %convert_element_type3A_226, %cond3A_227 : i32
      scf.if %cond3A_228 {
        %lt3A_238 = arith.constant 156 : i32
        %lt3A_239 = arith.cmpi slt, %add3A_223, %lt3A_238 : i32
        %mul3A_240 = arith.constant 40 : i32
        %mul3A_241 = arith.muli %add3A_223, %mul3A_240 : i32
        %sub3A_242 = arith.constant 40 : i32
        %sub3A_243 = arith.subi %sub3A, %sub3A_242 : i32
        %select_n3A_244 = arith.select %lt3A_239, %mul3A_241, %sub3A_243 : i32
        %multiple_of3A_245 = tpu.assume_multiple %select_n3A_244, 8 : i32
        %dma_wait3A = tpu.memref_slice %arg5[%multiple_of3A_245] : memref<6256xi32, #tpu.memory_space<vmem>> -> memref<40xi32, #tpu.memory_space<vmem>>
        %dma_wait3A_246 = arith.constant 0 : i32
        %dma_wait3A_247 = arith.constant 0 : i32
        %dma_wait3A_248 = tpu.memref_slice %arg2[%dma_wait3A_246, %dma_wait3A_247] : memref<50000x256xf32, #tpu.memory_space<hbm>> -> memref<50000x256xf32, #tpu.memory_space<hbm>>
        tpu.wait_indirect_dma semaphore(%arg28 : memref<!tpu.dma_semaphore, #tpu.memory_space<semaphore_mem>>) src(%dma_wait3A_248 : memref<50000x256xf32, #tpu.memory_space<hbm>>) dst(%arg16 : memref<40x256xf32, #tpu.memory_space<vmem>>)
        %lt3A_249 = arith.constant 156 : i32
        %lt3A_250 = arith.cmpi slt, %add3A_223, %lt3A_249 : i32
        %mul3A_251 = arith.constant 40 : i32
        %mul3A_252 = arith.muli %add3A_223, %mul3A_251 : i32
        %sub3A_253 = arith.constant 40 : i32
        %sub3A_254 = arith.subi %sub3A, %sub3A_253 : i32
        %select_n3A_255 = arith.select %lt3A_250, %mul3A_252, %sub3A_254 : i32
        %multiple_of3A_256 = tpu.assume_multiple %select_n3A_255, 8 : i32
        %add3A_257 = arith.addi %multiple_of3A, %multiple_of3A_256 : i32
        %dma_start3A_258 = arith.constant 0 : i32
        %dma_start3A_259 = tpu.memref_slice %arg4[%add3A_257, %dma_start3A_258] : memref<200000x256xf32, #tpu.memory_space<hbm>> -> memref<40x256xf32, #tpu.memory_space<hbm>>
        %dma_start3A_260 = arith.constant 0 : i32
        %dma_start3A_261 = tpu.memref_slice %arg4[%add3A_257, %dma_start3A_260] : memref<200000x256xf32, #tpu.memory_space<hbm>> -> memref<40x256xf32, #tpu.memory_space<hbm>>
        tpu.enqueue_dma source(%arg16 : memref<40x256xf32, #tpu.memory_space<vmem>>) target(%dma_start3A_261 : memref<40x256xf32, #tpu.memory_space<hbm>>) target_semaphore(%arg40 : memref<!tpu.dma_semaphore, #tpu.memory_space<semaphore_mem>>)
        %lt3A_262 = arith.constant 156 : i32
        %lt3A_263 = arith.cmpi slt, %add3A_223, %lt3A_262 : i32
        %mul3A_264 = arith.constant 40 : i32
        %mul3A_265 = arith.muli %add3A_223, %mul3A_264 : i32
        %sub3A_266 = arith.constant 40 : i32
        %sub3A_267 = arith.subi %sub3A, %sub3A_266 : i32
        %select_n3A_268 = arith.select %lt3A_263, %mul3A_265, %sub3A_267 : i32
        %multiple_of3A_269 = tpu.assume_multiple %select_n3A_268, 8 : i32
        %add3A_270 = arith.addi %multiple_of3A, %multiple_of3A_269 : i32
        %dma_wait3A_271 = arith.constant 0 : i32
        %dma_wait3A_272 = tpu.memref_slice %arg4[%add3A_270, %dma_wait3A_271] : memref<200000x256xf32, #tpu.memory_space<hbm>> -> memref<40x256xf32, #tpu.memory_space<hbm>>
        %dma_wait3A_273 = arith.constant 0 : i32
        %dma_wait3A_274 = tpu.memref_slice %arg4[%add3A_270, %dma_wait3A_273] : memref<200000x256xf32, #tpu.memory_space<hbm>> -> memref<40x256xf32, #tpu.memory_space<hbm>>
        tpu.wait_dma2 semaphore(%arg40 : memref<!tpu.dma_semaphore, #tpu.memory_space<semaphore_mem>>) src(%arg16 : memref<40x256xf32, #tpu.memory_space<vmem>>) dst(%dma_wait3A_274 : memref<40x256xf32, #tpu.memory_space<hbm>>)
        %add3A_275 = arith.constant 12 : i32
        %add3A_276 = arith.addi %add3A_223, %add3A_275 : i32
        %lt3A_277 = arith.constant 157 : i32
        %lt3A_278 = arith.cmpi slt, %add3A_276, %lt3A_277 : i32
        %convert_element_type3A_279 = arith.extui %lt3A_278 : i1 to i32
        %cond3A_280 = arith.constant 0 : i32
        %cond3A_281 = arith.cmpi ne, %convert_element_type3A_279, %cond3A_280 : i32
        scf.if %cond3A_281 {
          %add3A_282 = arith.constant 12 : i32
          %add3A_283 = arith.addi %add3A_223, %add3A_282 : i32
          %lt3A_284 = arith.constant 156 : i32
          %lt3A_285 = arith.cmpi slt, %add3A_283, %lt3A_284 : i32
          %mul3A_286 = arith.constant 40 : i32
          %mul3A_287 = arith.muli %add3A_283, %mul3A_286 : i32
          %sub3A_288 = arith.constant 40 : i32
          %sub3A_289 = arith.subi %sub3A, %sub3A_288 : i32
          %select_n3A_290 = arith.select %lt3A_285, %mul3A_287, %sub3A_289 : i32
          %multiple_of3A_291 = tpu.assume_multiple %select_n3A_290, 8 : i32
          %dma_start3A_292 = tpu.memref_slice %arg5[%multiple_of3A_291] : memref<6256xi32, #tpu.memory_space<vmem>> -> memref<40xi32, #tpu.memory_space<vmem>>
          %dma_start3A_293 = arith.constant 0 : i32
          %dma_start3A_294 = arith.constant 0 : i32
          %dma_start3A_295 = tpu.memref_slice %arg2[%dma_start3A_293, %dma_start3A_294] : memref<50000x256xf32, #tpu.memory_space<hbm>> -> memref<50000x256xf32, #tpu.memory_space<hbm>>
          tpu.enqueue_indirect_dma source(%dma_start3A_295 : memref<50000x256xf32, #tpu.memory_space<hbm>>) target(%arg16 : memref<40x256xf32, #tpu.memory_space<vmem>>) offsets(%dma_start3A_292 : memref<40xi32, #tpu.memory_space<vmem>>) semaphore(%arg28 : memref<!tpu.dma_semaphore, #tpu.memory_space<semaphore_mem>>)
        } else {
        }
      } else {
      }
      %mul3A_229 = arith.constant 12 : i32
      %mul3A_230 = arith.muli %mul3A_229, %scan3A_132 : i32
      %add3A_231 = arith.constant 11 : i32
      %add3A_232 = arith.addi %mul3A_230, %add3A_231 : i32
      %lt3A_233 = arith.constant 157 : i32
      %lt3A_234 = arith.cmpi slt, %add3A_232, %lt3A_233 : i32
      %convert_element_type3A_235 = arith.extui %lt3A_234 : i1 to i32
      %cond3A_236 = arith.constant 0 : i32
      %cond3A_237 = arith.cmpi ne, %convert_element_type3A_235, %cond3A_236 : i32
      scf.if %cond3A_237 {
        %lt3A_238 = arith.constant 156 : i32
        %lt3A_239 = arith.cmpi slt, %add3A_232, %lt3A_238 : i32
        %mul3A_240 = arith.constant 40 : i32
        %mul3A_241 = arith.muli %add3A_232, %mul3A_240 : i32
        %sub3A_242 = arith.constant 40 : i32
        %sub3A_243 = arith.subi %sub3A, %sub3A_242 : i32
        %select_n3A_244 = arith.select %lt3A_239, %mul3A_241, %sub3A_243 : i32
        %multiple_of3A_245 = tpu.assume_multiple %select_n3A_244, 8 : i32
        %dma_wait3A = tpu.memref_slice %arg5[%multiple_of3A_245] : memref<6256xi32, #tpu.memory_space<vmem>> -> memref<40xi32, #tpu.memory_space<vmem>>
        %dma_wait3A_246 = arith.constant 0 : i32
        %dma_wait3A_247 = arith.constant 0 : i32
        %dma_wait3A_248 = tpu.memref_slice %arg2[%dma_wait3A_246, %dma_wait3A_247] : memref<50000x256xf32, #tpu.memory_space<hbm>> -> memref<50000x256xf32, #tpu.memory_space<hbm>>
        tpu.wait_indirect_dma semaphore(%arg29 : memref<!tpu.dma_semaphore, #tpu.memory_space<semaphore_mem>>) src(%dma_wait3A_248 : memref<50000x256xf32, #tpu.memory_space<hbm>>) dst(%arg17 : memref<40x256xf32, #tpu.memory_space<vmem>>)
        %lt3A_249 = arith.constant 156 : i32
        %lt3A_250 = arith.cmpi slt, %add3A_232, %lt3A_249 : i32
        %mul3A_251 = arith.constant 40 : i32
        %mul3A_252 = arith.muli %add3A_232, %mul3A_251 : i32
        %sub3A_253 = arith.constant 40 : i32
        %sub3A_254 = arith.subi %sub3A, %sub3A_253 : i32
        %select_n3A_255 = arith.select %lt3A_250, %mul3A_252, %sub3A_254 : i32
        %multiple_of3A_256 = tpu.assume_multiple %select_n3A_255, 8 : i32
        %add3A_257 = arith.addi %multiple_of3A, %multiple_of3A_256 : i32
        %dma_start3A_258 = arith.constant 0 : i32
        %dma_start3A_259 = tpu.memref_slice %arg4[%add3A_257, %dma_start3A_258] : memref<200000x256xf32, #tpu.memory_space<hbm>> -> memref<40x256xf32, #tpu.memory_space<hbm>>
        %dma_start3A_260 = arith.constant 0 : i32
        %dma_start3A_261 = tpu.memref_slice %arg4[%add3A_257, %dma_start3A_260] : memref<200000x256xf32, #tpu.memory_space<hbm>> -> memref<40x256xf32, #tpu.memory_space<hbm>>
        tpu.enqueue_dma source(%arg17 : memref<40x256xf32, #tpu.memory_space<vmem>>) target(%dma_start3A_261 : memref<40x256xf32, #tpu.memory_space<hbm>>) target_semaphore(%arg41 : memref<!tpu.dma_semaphore, #tpu.memory_space<semaphore_mem>>)
        %lt3A_262 = arith.constant 156 : i32
        %lt3A_263 = arith.cmpi slt, %add3A_232, %lt3A_262 : i32
        %mul3A_264 = arith.constant 40 : i32
        %mul3A_265 = arith.muli %add3A_232, %mul3A_264 : i32
        %sub3A_266 = arith.constant 40 : i32
        %sub3A_267 = arith.subi %sub3A, %sub3A_266 : i32
        %select_n3A_268 = arith.select %lt3A_263, %mul3A_265, %sub3A_267 : i32
        %multiple_of3A_269 = tpu.assume_multiple %select_n3A_268, 8 : i32
        %add3A_270 = arith.addi %multiple_of3A, %multiple_of3A_269 : i32
        %dma_wait3A_271 = arith.constant 0 : i32
        %dma_wait3A_272 = tpu.memref_slice %arg4[%add3A_270, %dma_wait3A_271] : memref<200000x256xf32, #tpu.memory_space<hbm>> -> memref<40x256xf32, #tpu.memory_space<hbm>>
        %dma_wait3A_273 = arith.constant 0 : i32
        %dma_wait3A_274 = tpu.memref_slice %arg4[%add3A_270, %dma_wait3A_273] : memref<200000x256xf32, #tpu.memory_space<hbm>> -> memref<40x256xf32, #tpu.memory_space<hbm>>
        tpu.wait_dma2 semaphore(%arg41 : memref<!tpu.dma_semaphore, #tpu.memory_space<semaphore_mem>>) src(%arg17 : memref<40x256xf32, #tpu.memory_space<vmem>>) dst(%dma_wait3A_274 : memref<40x256xf32, #tpu.memory_space<hbm>>)
        %add3A_275 = arith.constant 12 : i32
        %add3A_276 = arith.addi %add3A_232, %add3A_275 : i32
        %lt3A_277 = arith.constant 157 : i32
        %lt3A_278 = arith.cmpi slt, %add3A_276, %lt3A_277 : i32
        %convert_element_type3A_279 = arith.extui %lt3A_278 : i1 to i32
        %cond3A_280 = arith.constant 0 : i32
        %cond3A_281 = arith.cmpi ne, %convert_element_type3A_279, %cond3A_280 : i32
        scf.if %cond3A_281 {
          %add3A_282 = arith.constant 12 : i32
          %add3A_283 = arith.addi %add3A_232, %add3A_282 : i32
          %lt3A_284 = arith.constant 156 : i32
          %lt3A_285 = arith.cmpi slt, %add3A_283, %lt3A_284 : i32
          %mul3A_286 = arith.constant 40 : i32
          %mul3A_287 = arith.muli %add3A_283, %mul3A_286 : i32
          %sub3A_288 = arith.constant 40 : i32
          %sub3A_289 = arith.subi %sub3A, %sub3A_288 : i32
          %select_n3A_290 = arith.select %lt3A_285, %mul3A_287, %sub3A_289 : i32
          %multiple_of3A_291 = tpu.assume_multiple %select_n3A_290, 8 : i32
          %dma_start3A_292 = tpu.memref_slice %arg5[%multiple_of3A_291] : memref<6256xi32, #tpu.memory_space<vmem>> -> memref<40xi32, #tpu.memory_space<vmem>>
          %dma_start3A_293 = arith.constant 0 : i32
          %dma_start3A_294 = arith.constant 0 : i32
          %dma_start3A_295 = tpu.memref_slice %arg2[%dma_start3A_293, %dma_start3A_294] : memref<50000x256xf32, #tpu.memory_space<hbm>> -> memref<50000x256xf32, #tpu.memory_space<hbm>>
          tpu.enqueue_indirect_dma source(%dma_start3A_295 : memref<50000x256xf32, #tpu.memory_space<hbm>>) target(%arg17 : memref<40x256xf32, #tpu.memory_space<vmem>>) offsets(%dma_start3A_292 : memref<40xi32, #tpu.memory_space<vmem>>) semaphore(%arg29 : memref<!tpu.dma_semaphore, #tpu.memory_space<semaphore_mem>>)
        } else {
        }
      } else {
      }
    }
    %scan3A_131 = arith.constant 14 : i32
    return
  }
}

</mosaic_0001>

<sc_bundles>
// kernel: _sc_gather.3.cloned.1.call-start
scs
__scs_entry_jumppad:
0x0: {  	(pc) =	sbr.rel $0x88, $3  }
0x1: {  	(tag) =	ssettag $0x0;
	lr =	simm.s32 $0x1  }
0x2: {  	[smem:$0x3F9F] =	sst lr;
	_ =	strace $0xD0000000  }
0x3: {  	_ = 	snop  }
0x4: {  	_ = 	snop  }
0x5: {  	_ = 	snop  }
0x6: {  	_ = 	snop  }
0x7: {  	_ = 	snop  }
__scs_overlays_trampoline_lowered:
0x8: {  	[smem:$0x3FAE] =	sst s0  }
0x9: {  	[smem:$0x3FAF] =	sst s1  }
0xa: {  	[smem:$0x3FB0] =	sst s2  }
0xb: {  	[smem:$0x3FB1] =	sst s3  }
0xc: {  	[smem:$0x3FB2] =	sst s4  }
0xd: {  	[smem:$0x3FB3] =	sst s5  }
0xe: {  	[smem:$0x3FB4] =	sst s6  }
0xf: {  	[smem:$0x3FB5] =	sst s7  }
0x10: {  	[smem:$0x3FB6] =	sst s8  }
0x11: {  	[smem:$0x3FB7] =	sst s9;
	s0 =	simm.s32 @!p0 $0x0  }
0x12: {  	s1 =	sld [smem:$0x3F9D];
	s0 =	simm.s32 @p0 $0x1  }
0x13: {  	[smem:$0x3FB8] =	sst s0;
	s0 =	simm.s32 @!p1 $0x0  }
0x14: {  	s2 =	sld [smem:$0x3F9C];
	s0 =	simm.s32 @p1 $0x1  }
0x15: {  	[smem:$0x3FB9] =	sst s0;
	s0 =	simm.s32 @!p2 $0x0  }
0x16: {  	s3 =	sld [smem:$0x3FDB];
	s0 =	simm.s32 @p2 $0x1  }
0x17: {  	s4 =	simm.s32 $0x1BF5;
	[smem:$0x3FBB] =	sst s0  }
0x18: {  	s0 =	sld [smem:$0x3F9E];
	_ =	swait.ge [sflag:s4], $0x0  }
0x19: {  	s7 =	sld [smem:$0x3F9F]  }
0x1a: {  	s8 =	sadd.s32 $0xFFFFE003, lr  }
0x1b: {  	s9 =	sadd.s32 $0xFFFFFEF7, lr;
	s5 =	simm.s32 $0xFFFFFFFF;
	p2 =	slt.u32 s8, $0xFFFFF086  }
0x1c: {  	p1 =	slt.u32 s9, $0xF7A;
	s5 =	simm.s32 @!p2 $0x0  }
0x1d: {  	s5 =	simm.s32 @p1 $0x1;
	p0 =	seq.s32 s7, s2  }
0x1e: {  	s7 =	smul.u32 @!p0 $0xF7A, s2;
	p2 =	seq.s32 @!p0 s5, $0x0  }
0x1f: {  	s9 =	smul.u32 $0xF7A, s1;
	s8 =	simm.s32 @!p0 $0x1BF5;
	p2 =	por !p2, p0  }
0x20: {  	[sflag:s8] =	ssyncset.s32 @!p0 $0xFFFFF086;
	s6 =	sadd.s32 @!p0 s3, s7;
	s7 =	simm.s32 @!p0 $0x108  }
0x21: {  	s3 =	sadd.s32 s3, s9;
	s6 =	sadd.s32 @!p0 $0x88, s6;
	s7 =	simm.s32 @p2 $0x1082  }
0x22: {  	[simem:s7], [sflag:s8] =	dma.local @!p0 [hbm:s6], $0xF7A  }
0x23: {  	s9 =	sor.u32 $0xD0000000, s2;
	s6 =	simm.s32 $0x108;
	_ =	swait.ge @!p0 [sflag:s8], $0x0  }
0x24: {  	s3 =	sadd.s32 $0x88, s3;
	s6 =	simm.s32 @!p1 $0x1082;
	[sflag:s4] =	ssyncset.s32 $0xFFFFF086  }
0x25: {  	[simem:s6], [sflag:s4] =	dma.local [hbm:s3], $0xF7A  }
0x26: {  	[smem:$0x3F9F] =	sst s1;
	(tag) =	ssettag s2;
	_ =	strace s9  }
0x27: {  	s1 =	sld [smem:$0x3FAF]  }
0x28: {  	s2 =	sld [smem:$0x3FB0]  }
0x29: {  	s4 =	sld [smem:$0x3FB2]  }
0x2a: {  	p0 =	seq.s32 s5, $0x0;
	s5 =	sld [smem:$0x3FB3]  }
0x2b: {  	s6 =	sld [smem:$0x3FB4]  }
0x2c: {  	s7 =	sld [smem:$0x3FB5]  }
0x2d: {  	s3 =	simm.s32 $0x108;
	s8 =	sld [smem:$0x3FB6]  }
0x2e: {  	s3 =	simm.s32 @!p0 $0x1082;
	s9 =	sld [smem:$0x3FB7]  }
0x2f: {  	lr =	sadd.s32 s0, s3;
	s0 =	sld [smem:$0x3FAE]  }
0x30: {  	s3 =	sld [smem:$0x3FB1]  }
0x31: {  	[smem:$0x3FBA] =	sst s10  }
0x32: {  	s10 =	sld [smem:$0x3FB8];
	_ =	sdelay $0x3  }
0x33: {  	p0 =	seq.s32 s10, $0x1;
	s10 =	sld [smem:$0x3FBA];
	_ =	sdelay $0x3  }
0x34: {  	[smem:$0x3FBA] =	sst s10  }
0x35: {  	s10 =	sld [smem:$0x3FB9];
	_ =	sdelay $0x3  }
0x36: {  	p1 =	seq.s32 s10, $0x1;
	s10 =	sld [smem:$0x3FBA];
	_ =	sdelay $0x3  }
0x37: {  	[smem:$0x3FBA] =	sst s10  }
0x38: {  	s10 =	sld [smem:$0x3FBB]  }
0x39: {  	_ = 	snop;
	(pc) =	sbr.ind lr, $3  }
0x3a: {  	_ = 	snop  }
0x3b: {  	_ = 	snop  }
0x3c: {  	p2 =	seq.s32 s10, $0x1;
	s10 =	sld [smem:$0x3FBA]  }
0x3d: {  	_ =	shalt  }
0x3e: {  	_ =	shalt  }
0x3f: {  	_ =	shalt  }
0x40: {  	_ =	shalt  }
0x41: {  	_ =	shalt  }
0x42: {  	_ =	shalt  }
0x43: {  	_ =	shalt  }
0x44: {  	_ =	shalt  }
0x45: {  	_ =	shalt  }
0x46: {  	_ =	shalt  }
0x47: {  	_ =	shalt  }
0x48: {  	_ =	shalt  }
0x49: {  	_ =	shalt  }
0x4a: {  	_ =	shalt  }
0x4b: {  	_ =	shalt  }
0x4c: {  	_ =	shalt  }
0x4d: {  	_ =	shalt  }
0x4e: {  	_ =	shalt  }
0x4f: {  	_ =	shalt  }
0x50: {  	_ =	shalt  }
0x51: {  	_ =	shalt  }
0x52: {  	_ =	shalt  }
0x53: {  	_ =	shalt  }
0x54: {  	_ =	shalt  }
0x55: {  	_ =	shalt  }
0x56: {  	_ =	shalt  }
0x57: {  	_ =	shalt  }
0x58: {  	_ =	shalt  }
0x59: {  	_ =	shalt  }
0x5a: {  	_ =	shalt  }
0x5b: {  	_ =	shalt  }
0x5c: {  	_ =	shalt  }
0x5d: {  	_ =	shalt  }
0x5e: {  	_ =	shalt  }
0x5f: {  	_ =	shalt  }
0x60: {  	_ =	shalt  }
0x61: {  	_ =	shalt  }
0x62: {  	_ =	shalt  }
0x63: {  	_ =	shalt  }
0x64: {  	_ =	shalt  }
0x65: {  	_ =	shalt  }
0x66: {  	_ =	shalt  }
0x67: {  	_ =	shalt  }
0x68: {  	_ =	shalt  }
0x69: {  	_ =	shalt  }
0x6a: {  	_ =	shalt  }
0x6b: {  	_ =	shalt  }
0x6c: {  	_ =	shalt  }
0x6d: {  	_ =	shalt  }
0x6e: {  	_ =	shalt  }
0x6f: {  	_ =	shalt  }
0x70: {  	_ =	shalt  }
0x71: {  	_ =	shalt  }
0x72: {  	_ =	shalt  }
0x73: {  	_ =	shalt  }
0x74: {  	_ =	shalt  }
0x75: {  	_ =	shalt  }
0x76: {  	_ =	shalt  }
0x77: {  	_ =	shalt  }
0x78: {  	_ =	shalt  }
0x79: {  	_ =	shalt  }
0x7a: {  	_ =	shalt  }
0x7b: {  	_ =	shalt  }
0x7c: {  	_ =	shalt  }
0x7d: {  	_ =	shalt  }
0x7e: {  	_ =	shalt  }
0x7f: {  	_ =	shalt  }
0x80: {  	_ =	shalt  }
0x81: {  	_ =	shalt  }
0x82: {  	_ =	shalt  }
0x83: {  	_ =	shalt  }
0x84: {  	_ =	shalt  }
0x85: {  	_ =	shalt  }
0x86: {  	_ =	shalt  }
0x87: {  	_ =	shalt  }
.Lfunc_end0:
.L_simem_size_0:
called_computation_lowered:
.L_overlay_start_0:
0x88: {  	s2 =	sld [smem:$0x3FD9]  }
0x89: {  	s3 =	sld [smem:$0x3FFE];
	_ =	sdelay $0x1  }
0x8a: {  	s1 =	srdreg.scid  }
0x8b: {  	s0 =	sand.u32 $0x1, s1  }
0x8c: {  	s18 =	sshll.u32 s0, $0xA;
	s2 =	sadd.s32 s3, s2  }
0x8d: {  	s2 =	sadd.s32 s2, s18  }
0x8e: {  	[smem:$0x3FC6] =	sst s2  }
0x8f: {  	_ = 	snop  }
0x90: {  	s2 =	sld [smem:$0x3FC9]  }
0x91: {  	s19 =	sld [smem:$0x3FC8]  }
0x92: {  	s4 =	sld [smem:$0x3FD0];
	(tm) =	ssettm $0x1  }
0x93: {  	s5 =	sld [smem:$0x3FFB];
	_ =	sdelay $0x3  }
0x94: {  	_ =	strace s5  }
0x95: {  	s5 =	sld [smem:$0x3FFC];
	_ =	sdelay $0x3  }
0x96: {  	_ =	strace s5  }
0x97: {  	s5 =	sld [smem:$0x3FFD];
	_ =	sdelay $0x3  }
0x98: {  	_ =	strace s5  }
0x99: {  	_ =	strace $0x8FFFFFFF  }
0x9a: {  	s20 =	sld [smem:$0x3FDB];
	_ =	sdelay $0x1  }
0x9b: {  	s6 =	simm.s32 $_scs_section_size  }
0x9c: {  	s7 =	simm.s32 $_size__tile_overlayer_lowered;
	s8 =	simm.s32 $_tile_overlayer_lowered  }
0x9d: {  	s23 =	simm.s32 $0x1BFF;
	s22 =	sshll.u32 s8, $0x1;
	s5 =	sadd.s32 s6, s20  }
0x9e: {  	s9 =	simm.s32 $0x0;
	s21 =	sshll.u32 s7, $0x1;
	s7 =	sadd.s32 s22, s5  }
0x9f: {  	[timem:s9], [sflag:s23] =	dma.local [hbm:s7], s21  }
0xa0: {  	_ =	swait.ge [sflag:s23], s21  }
0xa1: {  	s6 =	ssub.s32 $0x0, s21;
	[sflag:s23] =	ssyncset.done $0x0  }
0xa2: {  	[sflag:s23] =	ssyncadd.s32 s6;
	_ =	sdelay $0x1  }
0xa3: {  	s24 =	simm.s32 $0x1B8B  }
0xa4: {  	_ =	swait.ge [sflag:s24], $0x1  }
0xa5: {  	[sflag:s24] =	ssyncset.done $0x0  }
0xa6: {  	s25 =	simm.s32 $0x1B8E;
	[sflag:s24] =	ssyncadd.s32 $0xFFFFFFFF  }
0xa7: {  	s26 =	simm.s32 $execute0_lowered;
	[smem:$0x3FD2] =	sst s25  }
0xa8: {  	s6 =	sshll.u32 s26, $0x1;
	_ =	strace $0x80000046;
	[dreg:$0x1] =	wrdreg $0xFFFFFFFF  }
0xa9: {  	s28 =	simm.s32 $_size_execute0_lowered;
	s5 =	sadd.s32 s5, s6;
	[dreg:$0x0] =	wrdreg $0x0  }
0xaa: {  	s6 =	sshll.u32 s28, $0x1;
	[dreg:$0x2] =	wrdreg s5  }
0xab: {  	[dreg:$0x3] =	wrdreg s6  }
0xac: {  	[dreg:$0x4] =	wrdreg $0xC0  }
0xad: {  	_ =	task [dreg:s9], $0x5FFFF  }
0xae: {  	[dreg:$0x1] =	wrdreg $0xFFFFFFFF  }
0xaf: {  	[dreg:$0x0] =	wrdreg $0x60  }
0xb0: {  	[dreg:$0x2] =	wrdreg s2  }
0xb1: {  	[dreg:$0x3] =	wrdreg s19  }
0xb2: {  	[dreg:$0x4] =	wrdreg s4  }
0xb3: {  	[dreg:$0x5] =	wrdreg $0x9  }
0xb4: {  	_ =	task.clear_ibuf [dreg:s9], $0x6FFFF;
	_ =	strace $0x90000046  }
0xb5: {  	s29 =	simm.s32 $0x9;
	_ =	strace $0x80000048  }
0xb6: {  	_ =	swait.ge [sflag:s29], $0x1  }
0xb7: {  	[sflag:s29] =	ssyncadd.s32 $0xFFFFFFFF  }
0xb8: {  	_ =	strace $0x90000048  }
0xb9: {  	_ =	sfence  }
0xba: {  	s30 =	sld [smem:$0x0];
	_ =	sdelay $0x2  }
0xbb: {  	s31 =	sshll.u32 s1, $0xD;
	s1 =	sshrl.u32 s1, $0x2  }
0xbc: {  	s3 =	sand.u32 $0x4000, s31;
	s1 =	sadd.s32 s1, s30  }
0xbd: {  	s0 =	sor.u32 s3, s0;
	s1 =	sshll.u32 s1, $0x11  }
0xbe: {  	s0 =	sor.u32 s1, s0  }
0xbf: {  	s0 =	sadd.s32 $0x8F2B, s0  }
0xc0: {  	[sflag:s0] =	ssyncadd.remote.s32 $0x1  }
0xc1: {  	_ =	sfence.sel $0xFFFF  }
0xc2: {  	[dreg:$0x0] =	wrdreg $0xFFFFFFFF;
	(pc) =	sbr.abs _section_cstart, $3  }
0xc3: {  	[dreg:$0x1] =	wrdreg $0xFFFFFFFF  }
0xc4: {  	_ =	task.clear_ibuf [dreg:s9], $0x2FFFF;
	_ =	strace $0x9FFFFFFF  }
0xc5: {  	(tm) =	ssettm $0x7FFFFFFF  }
tec
execute0_lowered:
.L_overlay_start_1:
0x0: {  	(tag) =	ssettag $0x1  }
0x1: {  	s1 =	rddreg [dreg:$0x0]  }
0x2: {  	s0 =	rddreg [dreg:$0x1]  }
0x3: {  	s2 =	srdreg.scid;
	s7 =	stileid.u32  }
0x4: {  	s3 =	rddreg [dreg:$0x2];
	s4 =	simm.s32 $0x0;
	s29 =	simm.s32 $0x8  }
0x5: {  	s31 =	simm.s32 $0x14;
	s28 =	simm.s32 $0x9;
	s30 =	simm.s32 $0x16  }
0x6: {  	s2 =	sand.u32 $0x1, s2;
	s5 =	sshll.u32 s7, $0x1;
	s7 =	smul.u32 $0x30D4, s7  }
0x7: {  	s5 =	sor.u32 s2, s5;
	s6 =	ssub.s32 $0x2, s2;
	s2 =	smul.u32 $0x186A, s2  }
0x8: {  	[smem:$0x7FF] =	sst s4;
	s5 =	smul.u32 $0x186A, s5;
	s8 =	sshrl.u32 s6, $0x1  }
0x9: {  	_ =	strace $0x80000047;
	s6 =	ssub.s32 s6, s8;
	s2 =	sadd.s32 s2, s7  }
0xa: {  	s9 =	sadd.s32 $0x186A, s5;
	s10 =	sand.u32 $0x3FFF8, s5;
	s11 =	sshrl.u32 s5, $0x3  }
0xb: {  	s12 =	sshll.u32 s2, $0x5;
	s13 =	smax.u32 s6, $0x1;
	s9 =	sand.u32 $0x7FFF8, s9  }
0xc: {  	s0 =	sadd.s32 s0, s11;
	[dreg:$0x5] =	wrdreg s13;
	s14 =	sadd.s32 $0x500, s12  }
0xd: {  	s15 =	sadd.s32 $0x1900, s12;
	s16 =	sadd.s32 $0x1E00, s12;
	s19 =	sadd.s32 $0x2300, s12  }
0xe: {  	s20 =	sadd.s32 $0x2D00, s12;
	s21 =	sadd.s32 $0x3200, s12;
	s24 =	sadd.s32 $0x3700, s12  }
0xf: {  	s25 =	sadd.s32 $0xA00, s12;
	s11 =	simm.s32 $0x0;
	s8 =	ssub.s32 s9, s10  }
0x10: {  	[dreg:$0x4] =	wrdreg s0;
	s2 =	sand.u32 $0x1FFFF00, s14;
	s6 =	sand.u32 $0x1FFFF00, s15  }
0x11: {  	s18 =	sand.u32 $0x1FFFF00, s16;
	s23 =	sand.u32 $0x1FFFF00, s21;
	s0 =	sadd.s32 $0xF00, s12  }
0x12: {  	s21 =	simm.s32 $0xB880;
	s9 =	simm.s32 $0x17;
	s16 =	simm.s32 $0xC  }
0x13: {  	s7 =	sadd.s32 $0xFFFFFFD8, s8;
	s2 =	sadd.s32 s2, s3;
	s17 =	sadd.s32 s6, s3  }
0x14: {  	s6 =	sand.u32 $0x1FFFF00, s20;
	s0 =	sand.u32 $0x1FFFF00, s0;
	[dreg:$0x6] =	wrdreg s2  }
0x15: {  	s8 =	simm.s32 $0xA;
	[dreg:$0x7] =	wrdreg s17;
	s2 =	sadd.s32 s18, s3  }
0x16: {  	s22 =	sadd.s32 s6, s3;
	s6 =	sand.u32 $0x1FFFF00, s25;
	s0 =	sadd.s32 s0, s3  }
0x17: {  	s18 =	simm.s32 $0x1;
	s25 =	simm.s32 $0x13;
	[dreg:$0x8] =	wrdreg s2  }
0x18: {  	s17 =	simm.s32 $0x18;
	s2 =	sand.u32 $0x1FFFF00, s19;
	[dreg:$0xa] =	wrdreg s22  }
0x19: {  	s26 =	sadd.s32 s6, s3;
	[dreg:$0xe] =	wrdreg s0;
	s19 =	simm.s32 $0x1880  }
.Ltmp0:
0x1a: {  	s2 =	sadd.s32 s2, s3;
	[dreg:$0xd] =	wrdreg s26;
	(pc) =	sbr.rel .LBB2_1-.Ltmp0, $4  }
0x1b: {  	s0 =	simm.s32 $0x12;
	[dreg:$0x9] =	wrdreg s2;
	s2 =	sadd.s32 s23, s3  }
0x1c: {  	v2 =	vlaneseq.u32;
	s6 =	simm.s32 $0x15;
	[dreg:$0xb] =	wrdreg s2;
	s2 =	sand.u32 $0x1FFFF00, s24  }
0x1d: {  	vm0 =	vmmov $0xffff;
	v1 =	vshrl.u32 v2, $0x3;
	s26 =	simm.s32 $0xB;
	s23 =	simm.s32 $0x6;
	s2 =	sadd.s32 s2, s3  }
0x1e: {  	v0 =	vand.u32 $0x7, v2;
	v2 =	vor.u32 $0x8, v2;
	v1 =	vmul.u32 $0x8, v1;
	s24 =	simm.s32 $0xD;
	[dreg:$0xc] =	wrdreg s2;
	s2 =	simm.s32 $0x7  }
.LBB2_6:
0x1f: {  	s11 =	rddreg [dreg:$0xf]  }
0x20: {  	s10 =	rddreg [dreg:$0x5];
	s11 =	sadd.s32 $0x1, s11  }
0x21: {  	p0 =	sne.s32 s11, s10  }
.Ltmp1:
0x22: {  	_ = 	snop;
	(pc) =	sbr.rel @!p0 .LBB2_7-.Ltmp1, $1  }
0x23: {  	_ =	sdelay $0x3  }
.LBB2_1:
0x24: {  	[dreg:$0xf] =	wrdreg s11  }
0x25: {  	s10 =	rddreg [dreg:$0x4];
	s15 =	simm.s32 $0x19  }
0x26: {  	[tilespmem:s4], [sflag:$0x19] =	stream.linear.gather [hbm4b:s10+s4], $0x1870, $0x38;
	[tilespmem:$0x1F880] =	vst v63  }
0x27: {  	_ =	swait.ge [sflag:s15], $0x1870  }
0x28: {  	[sflag:s15] =	ssyncset.done $0x0  }
0x29: {  	[sflag:s15] =	ssyncadd.s32 $0xFFFFE790  }
0x2a: {  	v3 =	vld [tilespmem:$0x0];
	_ =	sdelay $0x4  }
0x2b: {  	v4 =	vshll.u32 v3, $0x1  }
0x2c: {  	v3 =	vand.u32 $0x7, v3;
	v4 =	vand.u32 $0xFFFFFFF0, v4  }
0x2d: {  	v3 =	vor.u32 v3, v4  }
0x2e: {  	v4 =	vperm.xlane v3, v0;
	_ =	sdelay $0x1  }
0x2f: {  	v3 =	vperm.xlane v3, v2;
	v4 =	vadd.s32 v1, v4;
	_ =	sdelay $0x1  }
0x30: {  	v3 =	vadd.s32 v1, v3;
	_ =	sdelay $0x2  }
0x31: {  	[tilespmem:s19], [sflag:$0x1] =	stream.indirect_vreg.gather [hbm4b:s1+s4], $0x80, v4, vm0, $0xb8;
	[tilespmem:$0x1F880] =	vst v63  }
0x32: {  	s20 =	simm.s32 $0x2080  }
0x33: {  	[tilespmem:s20], [sflag:$0x1] =	stream.indirect_vreg.gather [hbm4b:s1+s4], $0x80, v3, vm0, $0xb8;
	[tilespmem:$0x1F880] =	vst v63  }
0x34: {  	v3 =	vld [tilespmem:$0x10];
	_ =	sdelay $0x4  }
0x35: {  	v29 =	vshll.u32 v3, $0x1  }
0x36: {  	v3 =	vand.u32 $0x7, v3;
	v4 =	vand.u32 $0xFFFFFFF0, v29  }
0x37: {  	v3 =	vor.u32 v3, v4  }
0x38: {  	v4 =	vperm.xlane v3, v0;
	_ =	sdelay $0x1  }
0x39: {  	v3 =	vperm.xlane v3, v2;
	v4 =	vadd.s32 v1, v4;
	_ =	sdelay $0x1  }
0x3a: {  	v3 =	vadd.s32 v1, v3;
	_ =	sdelay $0x1  }
0x3b: {  	s22 =	simm.s32 $0x2880  }
0x3c: {  	[tilespmem:s22], [sflag:$0x1] =	stream.indirect_vreg.gather [hbm4b:s1+s4], $0x80, v4, vm0, $0xb8;
	[tilespmem:$0x1F880] =	vst v63  }
0x3d: {  	s11 =	simm.s32 $0x3080  }
0x3e: {  	[tilespmem:s11], [sflag:$0x1] =	stream.indirect_vreg.gather [hbm4b:s1+s4], $0x80, v3, vm0, $0xb8;
	[tilespmem:$0x1F880] =	vst v63  }
0x3f: {  	v3 =	vld.msk [tilespmem:$0x20], $0xff;
	_ =	sdelay $0x4  }
0x40: {  	v30 =	vshll.u32 v3, $0x1  }
0x41: {  	v3 =	vand.u32 $0x7, v3;
	v4 =	vand.u32 $0xFFFFFFF0, v30  }
0x42: {  	v3 =	vor.u32 v3, v4  }
0x43: {  	v3 =	vperm.xlane v3, v0;
	_ =	sdelay $0x1  }
0x44: {  	v3 =	vadd.s32 v1, v3;
	_ =	sdelay $0x3  }
0x45: {  	s12 =	simm.s32 $0x3880  }
0x46: {  	[tilespmem:s12], [sflag:$0x1] =	stream.indirect_vreg.gather [hbm4b:s1+s4], $0x80, v3, vm0, $0xb8;
	[tilespmem:$0x1F880] =	vst v63  }
0x47: {  	v3 =	vld [tilespmem:$0x28];
	_ =	sdelay $0x4  }
0x48: {  	v31 =	vshll.u32 v3, $0x1  }
0x49: {  	v3 =	vand.u32 $0x7, v3;
	v4 =	vand.u32 $0xFFFFFFF0, v31  }
0x4a: {  	v3 =	vor.u32 v3, v4  }
0x4b: {  	v4 =	vperm.xlane v3, v0;
	_ =	sdelay $0x1  }
0x4c: {  	v3 =	vperm.xlane v3, v2;
	v4 =	vadd.s32 v1, v4;
	_ =	sdelay $0x1  }
0x4d: {  	v3 =	vadd.s32 v1, v3;
	_ =	sdelay $0x1  }
0x4e: {  	s13 =	simm.s32 $0x4080  }
0x4f: {  	[tilespmem:s13], [sflag:$0x2] =	stream.indirect_vreg.gather [hbm4b:s1+s4], $0x80, v4, vm0, $0xb8;
	[tilespmem:$0x1F880] =	vst v63  }
0x50: {  	s14 =	simm.s32 $0x4880  }
0x51: {  	[tilespmem:s14], [sflag:$0x2] =	stream.indirect_vreg.gather [hbm4b:s1+s4], $0x80, v3, vm0, $0xb8;
	[tilespmem:$0x1F880] =	vst v63  }
0x52: {  	v3 =	vld [tilespmem:$0x38];
	_ =	sdelay $0x4  }
0x53: {  	v32 =	vshll.u32 v3, $0x1  }
0x54: {  	v3 =	vand.u32 $0x7, v3;
	v4 =	vand.u32 $0xFFFFFFF0, v32  }
0x55: {  	v3 =	vor.u32 v3, v4  }
0x56: {  	v4 =	vperm.xlane v3, v0;
	_ =	sdelay $0x1  }
0x57: {  	v3 =	vperm.xlane v3, v2;
	v4 =	vadd.s32 v1, v4;
	_ =	sdelay $0x1  }
0x58: {  	v3 =	vadd.s32 v1, v3;
	_ =	sdelay $0x1  }
0x59: {  	s15 =	simm.s32 $0x5080  }
0x5a: {  	[tilespmem:s15], [sflag:$0x2] =	stream.indirect_vreg.gather [hbm4b:s1+s4], $0x80, v4, vm0, $0xb8;
	[tilespmem:$0x1F880] =	vst v63  }
0x5b: {  	s20 =	simm.s32 $0x5880  }
0x5c: {  	[tilespmem:s20], [sflag:$0x2] =	stream.indirect_vreg.gather [hbm4b:s1+s4], $0x80, v3, vm0, $0xb8;
	[tilespmem:$0x1F880] =	vst v63  }
0x5d: {  	v3 =	vld.msk [tilespmem:$0x48], $0xff;
	_ =	sdelay $0x4  }
0x5e: {  	v33 =	vshll.u32 v3, $0x1  }
0x5f: {  	v3 =	vand.u32 $0x7, v3;
	v4 =	vand.u32 $0xFFFFFFF0, v33  }
0x60: {  	v3 =	vor.u32 v3, v4  }
0x61: {  	v3 =	vperm.xlane v3, v0;
	_ =	sdelay $0x1  }
0x62: {  	v3 =	vadd.s32 v1, v3;
	_ =	sdelay $0x3  }
0x63: {  	s22 =	simm.s32 $0x6080  }
0x64: {  	[tilespmem:s22], [sflag:$0x2] =	stream.indirect_vreg.gather [hbm4b:s1+s4], $0x80, v3, vm0, $0xb8;
	[tilespmem:$0x1F880] =	vst v63  }
0x65: {  	v3 =	vld [tilespmem:$0x50];
	_ =	sdelay $0x4  }
0x66: {  	v34 =	vshll.u32 v3, $0x1  }
0x67: {  	v3 =	vand.u32 $0x7, v3;
	v4 =	vand.u32 $0xFFFFFFF0, v34  }
0x68: {  	v3 =	vor.u32 v3, v4  }
0x69: {  	v4 =	vperm.xlane v3, v0;
	_ =	sdelay $0x1  }
0x6a: {  	v3 =	vperm.xlane v3, v2;
	v4 =	vadd.s32 v1, v4;
	_ =	sdelay $0x1  }
0x6b: {  	v3 =	vadd.s32 v1, v3;
	_ =	sdelay $0x1  }
0x6c: {  	s11 =	simm.s32 $0x6880  }
0x6d: {  	[tilespmem:s11], [sflag:$0x3] =	stream.indirect_vreg.gather [hbm4b:s1+s4], $0x80, v4, vm0, $0xb8;
	[tilespmem:$0x1F880] =	vst v63  }
0x6e: {  	s12 =	simm.s32 $0x7080  }
0x6f: {  	[tilespmem:s12], [sflag:$0x3] =	stream.indirect_vreg.gather [hbm4b:s1+s4], $0x80, v3, vm0, $0xb8;
	[tilespmem:$0x1F880] =	vst v63  }
0x70: {  	v3 =	vld [tilespmem:$0x60];
	_ =	sdelay $0x4  }
0x71: {  	v35 =	vshll.u32 v3, $0x1  }
0x72: {  	v3 =	vand.u32 $0x7, v3;
	v4 =	vand.u32 $0xFFFFFFF0, v35  }
0x73: {  	v3 =	vor.u32 v3, v4  }
0x74: {  	v4 =	vperm.xlane v3, v0;
	_ =	sdelay $0x1  }
0x75: {  	v3 =	vperm.xlane v3, v2;
	v4 =	vadd.s32 v1, v4;
	_ =	sdelay $0x1  }
0x76: {  	v3 =	vadd.s32 v1, v3;
	_ =	sdelay $0x1  }
0x77: {  	s13 =	simm.s32 $0x7880  }
0x78: {  	[tilespmem:s13], [sflag:$0x3] =	stream.indirect_vreg.gather [hbm4b:s1+s4], $0x80, v4, vm0, $0xb8;
	[tilespmem:$0x1F880] =	vst v63  }
0x79: {  	s14 =	simm.s32 $0x8080  }
0x7a: {  	[tilespmem:s14], [sflag:$0x3] =	stream.indirect_vreg.gather [hbm4b:s1+s4], $0x80, v3, vm0, $0xb8;
	[tilespmem:$0x1F880] =	vst v63  }
0x7b: {  	v3 =	vld.msk [tilespmem:$0x70], $0xff;
	_ =	sdelay $0x4  }
0x7c: {  	v36 =	vshll.u32 v3, $0x1  }
0x7d: {  	v3 =	vand.u32 $0x7, v3;
	v4 =	vand.u32 $0xFFFFFFF0, v36  }
0x7e: {  	v3 =	vor.u32 v3, v4  }
0x7f: {  	v3 =	vperm.xlane v3, v0;
	_ =	sdelay $0x1  }
0x80: {  	v3 =	vadd.s32 v1, v3;
	_ =	sdelay $0x3  }
0x81: {  	s15 =	simm.s32 $0x8880  }
0x82: {  	[tilespmem:s15], [sflag:$0x3] =	stream.indirect_vreg.gather [hbm4b:s1+s4], $0x80, v3, vm0, $0xb8;
	[tilespmem:$0x1F880] =	vst v63  }
0x83: {  	v3 =	vld [tilespmem:$0x78];
	_ =	sdelay $0x4  }
0x84: {  	v37 =	vshll.u32 v3, $0x1  }
0x85: {  	v3 =	vand.u32 $0x7, v3;
	v4 =	vand.u32 $0xFFFFFFF0, v37  }
0x86: {  	v3 =	vor.u32 v3, v4  }
0x87: {  	v4 =	vperm.xlane v3, v0;
	_ =	sdelay $0x1  }
0x88: {  	v3 =	vperm.xlane v3, v2;
	v4 =	vadd.s32 v1, v4;
	_ =	sdelay $0x1  }
0x89: {  	v3 =	vadd.s32 v1, v3;
	_ =	sdelay $0x1  }
0x8a: {  	s20 =	simm.s32 $0x9080  }
0x8b: {  	[tilespmem:s20], [sflag:$0x4] =	stream.indirect_vreg.gather [hbm4b:s1+s4], $0x80, v4, vm0, $0xb8;
	[tilespmem:$0x1F880] =	vst v63  }
0x8c: {  	s22 =	simm.s32 $0x9880  }
0x8d: {  	[tilespmem:s22], [sflag:$0x4] =	stream.indirect_vreg.gather [hbm4b:s1+s4], $0x80, v3, vm0, $0xb8;
	[tilespmem:$0x1F880] =	vst v63  }
0x8e: {  	v3 =	vld [tilespmem:$0x88];
	_ =	sdelay $0x4  }
0x8f: {  	v38 =	vshll.u32 v3, $0x1  }
0x90: {  	v3 =	vand.u32 $0x7, v3;
	v4 =	vand.u32 $0xFFFFFFF0, v38  }
0x91: {  	v3 =	vor.u32 v3, v4  }
0x92: {  	v4 =	vperm.xlane v3, v0;
	_ =	sdelay $0x1  }
0x93: {  	v3 =	vperm.xlane v3, v2;
	v4 =	vadd.s32 v1, v4;
	_ =	sdelay $0x1  }
0x94: {  	v3 =	vadd.s32 v1, v3;
	_ =	sdelay $0x1  }
0x95: {  	s11 =	simm.s32 $0xA080  }
0x96: {  	[tilespmem:s11], [sflag:$0x4] =	stream.indirect_vreg.gather [hbm4b:s1+s4], $0x80, v4, vm0, $0xb8;
	[tilespmem:$0x1F880] =	vst v63  }
0x97: {  	s12 =	simm.s32 $0xA880  }
0x98: {  	[tilespmem:s12], [sflag:$0x4] =	stream.indirect_vreg.gather [hbm4b:s1+s4], $0x80, v3, vm0, $0xb8;
	[tilespmem:$0x1F880] =	vst v63  }
0x99: {  	v3 =	vld.msk [tilespmem:$0x98], $0xff;
	_ =	sdelay $0x4  }
0x9a: {  	v39 =	vshll.u32 v3, $0x1  }
0x9b: {  	v3 =	vand.u32 $0x7, v3;
	v4 =	vand.u32 $0xFFFFFFF0, v39  }
0x9c: {  	v3 =	vor.u32 v3, v4  }
0x9d: {  	v3 =	vperm.xlane v3, v0;
	_ =	sdelay $0x1  }
0x9e: {  	v3 =	vadd.s32 v1, v3;
	_ =	sdelay $0x3  }
0x9f: {  	s13 =	simm.s32 $0xB080  }
0xa0: {  	[tilespmem:s13], [sflag:$0x4] =	stream.indirect_vreg.gather [hbm4b:s1+s4], $0x80, v3, vm0, $0xb8;
	[tilespmem:$0x1F880] =	vst v63  }
0xa1: {  	v3 =	vld [tilespmem:$0xA0];
	_ =	sdelay $0x4  }
0xa2: {  	v40 =	vshll.u32 v3, $0x1  }
0xa3: {  	v3 =	vand.u32 $0x7, v3;
	v4 =	vand.u32 $0xFFFFFFF0, v40  }
0xa4: {  	v3 =	vor.u32 v3, v4  }
0xa5: {  	v4 =	vperm.xlane v3, v0;
	_ =	sdelay $0x1  }
0xa6: {  	v3 =	vperm.xlane v3, v2;
	v4 =	vadd.s32 v1, v4;
	_ =	sdelay $0x1  }
0xa7: {  	v3 =	vadd.s32 v1, v3;
	_ =	sdelay $0x2  }
0xa8: {  	[tilespmem:s21], [sflag:$0x5] =	stream.indirect_vreg.gather [hbm4b:s1+s4], $0x80, v4, vm0, $0xb8;
	[tilespmem:$0x1F880] =	vst v63  }
0xa9: {  	s14 =	simm.s32 $0xC080  }
0xaa: {  	[tilespmem:s14], [sflag:$0x5] =	stream.indirect_vreg.gather [hbm4b:s1+s4], $0x80, v3, vm0, $0xb8;
	[tilespmem:$0x1F880] =	vst v63  }
0xab: {  	v3 =	vld [tilespmem:$0xB0];
	_ =	sdelay $0x4  }
0xac: {  	v41 =	vshll.u32 v3, $0x1  }
0xad: {  	v3 =	vand.u32 $0x7, v3;
	v4 =	vand.u32 $0xFFFFFFF0, v41  }
0xae: {  	v3 =	vor.u32 v3, v4  }
0xaf: {  	v4 =	vperm.xlane v3, v0;
	_ =	sdelay $0x1  }
0xb0: {  	v3 =	vperm.xlane v3, v2;
	v4 =	vadd.s32 v1, v4;
	_ =	sdelay $0x1  }
0xb1: {  	v3 =	vadd.s32 v1, v3;
	_ =	sdelay $0x1  }
0xb2: {  	s15 =	simm.s32 $0xC880  }
0xb3: {  	[tilespmem:s15], [sflag:$0x5] =	stream.indirect_vreg.gather [hbm4b:s1+s4], $0x80, v4, vm0, $0xb8;
	[tilespmem:$0x1F880] =	vst v63  }
0xb4: {  	s20 =	simm.s32 $0xD080  }
0xb5: {  	[tilespmem:s20], [sflag:$0x5] =	stream.indirect_vreg.gather [hbm4b:s1+s4], $0x80, v3, vm0, $0xb8;
	[tilespmem:$0x1F880] =	vst v63  }
0xb6: {  	v3 =	vld.msk [tilespmem:$0xC0], $0xff;
	_ =	sdelay $0x4  }
0xb7: {  	v42 =	vshll.u32 v3, $0x1  }
0xb8: {  	v3 =	vand.u32 $0x7, v3;
	v4 =	vand.u32 $0xFFFFFFF0, v42  }
0xb9: {  	v3 =	vor.u32 v3, v4  }
0xba: {  	v3 =	vperm.xlane v3, v0;
	_ =	sdelay $0x1  }
0xbb: {  	v3 =	vadd.s32 v1, v3;
	_ =	sdelay $0x3  }
0xbc: {  	s22 =	simm.s32 $0xD880  }
0xbd: {  	[tilespmem:s22], [sflag:$0x5] =	stream.indirect_vreg.gather [hbm4b:s1+s4], $0x80, v3, vm0, $0xb8;
	[tilespmem:$0x1F880] =	vst v63  }
0xbe: {  	v3 =	vld [tilespmem:$0xC8];
	_ =	sdelay $0x4  }
0xbf: {  	v43 =	vshll.u32 v3, $0x1  }
0xc0: {  	v3 =	vand.u32 $0x7, v3;
	v4 =	vand.u32 $0xFFFFFFF0, v43  }
0xc1: {  	v3 =	vor.u32 v3, v4  }
0xc2: {  	v4 =	vperm.xlane v3, v0;
	_ =	sdelay $0x1  }
0xc3: {  	v3 =	vperm.xlane v3, v2;
	v4 =	vadd.s32 v1, v4;
	_ =	sdelay $0x1  }
0xc4: {  	v3 =	vadd.s32 v1, v3;
	_ =	sdelay $0x1  }
0xc5: {  	s11 =	simm.s32 $0xE080  }
0xc6: {  	[tilespmem:s11], [sflag:$0x6] =	stream.indirect_vreg.gather [hbm4b:s1+s4], $0x80, v4, vm0, $0xb8;
	[tilespmem:$0x1F880] =	vst v63  }
0xc7: {  	s12 =	simm.s32 $0xE880  }
0xc8: {  	[tilespmem:s12], [sflag:$0x6] =	stream.indirect_vreg.gather [hbm4b:s1+s4], $0x80, v3, vm0, $0xb8;
	[tilespmem:$0x1F880] =	vst v63  }
0xc9: {  	v3 =	vld [tilespmem:$0xD8];
	_ =	sdelay $0x4  }
0xca: {  	v44 =	vshll.u32 v3, $0x1  }
0xcb: {  	v3 =	vand.u32 $0x7, v3;
	v4 =	vand.u32 $0xFFFFFFF0, v44  }
0xcc: {  	v3 =	vor.u32 v3, v4  }
0xcd: {  	v4 =	vperm.xlane v3, v0;
	_ =	sdelay $0x1  }
0xce: {  	v3 =	vperm.xlane v3, v2;
	v4 =	vadd.s32 v1, v4;
	_ =	sdelay $0x1  }
0xcf: {  	v3 =	vadd.s32 v1, v3;
	_ =	sdelay $0x1  }
0xd0: {  	s13 =	simm.s32 $0xF080  }
0xd1: {  	[tilespmem:s13], [sflag:$0x6] =	stream.indirect_vreg.gather [hbm4b:s1+s4], $0x80, v4, vm0, $0xb8;
	[tilespmem:$0x1F880] =	vst v63  }
0xd2: {  	s14 =	simm.s32 $0xF880  }
0xd3: {  	[tilespmem:s14], [sflag:$0x6] =	stream.indirect_vreg.gather [hbm4b:s1+s4], $0x80, v3, vm0, $0xb8;
	[tilespmem:$0x1F880] =	vst v63  }
0xd4: {  	v3 =	vld.msk [tilespmem:$0xE8], $0xff;
	_ =	sdelay $0x4  }
0xd5: {  	v45 =	vshll.u32 v3, $0x1  }
0xd6: {  	v3 =	vand.u32 $0x7, v3;
	v4 =	vand.u32 $0xFFFFFFF0, v45  }
0xd7: {  	v3 =	vor.u32 v3, v4  }
0xd8: {  	v3 =	vperm.xlane v3, v0;
	_ =	sdelay $0x1  }
0xd9: {  	v3 =	vadd.s32 v1, v3;
	_ =	sdelay $0x3  }
0xda: {  	s15 =	simm.s32 $0x10080  }
0xdb: {  	[tilespmem:s15], [sflag:$0x6] =	stream.indirect_vreg.gather [hbm4b:s1+s4], $0x80, v3, vm0, $0xb8;
	[tilespmem:$0x1F880] =	vst v63  }
0xdc: {  	v3 =	vld [tilespmem:$0xF0];
	_ =	sdelay $0x4  }
0xdd: {  	v46 =	vshll.u32 v3, $0x1  }
0xde: {  	v3 =	vand.u32 $0x7, v3;
	v4 =	vand.u32 $0xFFFFFFF0, v46  }
0xdf: {  	v3 =	vor.u32 v3, v4  }
0xe0: {  	v4 =	vperm.xlane v3, v0;
	_ =	sdelay $0x1  }
0xe1: {  	v3 =	vperm.xlane v3, v2;
	v4 =	vadd.s32 v1, v4;
	_ =	sdelay $0x1  }
0xe2: {  	v3 =	vadd.s32 v1, v3;
	_ =	sdelay $0x1  }
0xe3: {  	s20 =	simm.s32 $0x10880  }
0xe4: {  	[tilespmem:s20], [sflag:$0x7] =	stream.indirect_vreg.gather [hbm4b:s1+s4], $0x80, v4, vm0, $0xb8;
	[tilespmem:$0x1F880] =	vst v63  }
0xe5: {  	s22 =	simm.s32 $0x11080  }
0xe6: {  	[tilespmem:s22], [sflag:$0x7] =	stream.indirect_vreg.gather [hbm4b:s1+s4], $0x80, v3, vm0, $0xb8;
	[tilespmem:$0x1F880] =	vst v63  }
0xe7: {  	v3 =	vld [tilespmem:$0x100];
	_ =	sdelay $0x4  }
0xe8: {  	v47 =	vshll.u32 v3, $0x1  }
0xe9: {  	v3 =	vand.u32 $0x7, v3;
	v4 =	vand.u32 $0xFFFFFFF0, v47  }
0xea: {  	v3 =	vor.u32 v3, v4  }
0xeb: {  	v4 =	vperm.xlane v3, v0;
	_ =	sdelay $0x1  }
0xec: {  	v3 =	vperm.xlane v3, v2;
	v4 =	vadd.s32 v1, v4;
	_ =	sdelay $0x1  }
0xed: {  	v3 =	vadd.s32 v1, v3;
	_ =	sdelay $0x1  }
0xee: {  	s11 =	simm.s32 $0x11880  }
0xef: {  	[tilespmem:s11], [sflag:$0x7] =	stream.indirect_vreg.gather [hbm4b:s1+s4], $0x80, v4, vm0, $0xb8;
	[tilespmem:$0x1F880] =	vst v63  }
0xf0: {  	s12 =	simm.s32 $0x12080  }
0xf1: {  	[tilespmem:s12], [sflag:$0x7] =	stream.indirect_vreg.gather [hbm4b:s1+s4], $0x80, v3, vm0, $0xb8;
	[tilespmem:$0x1F880] =	vst v63  }
0xf2: {  	v3 =	vld.msk [tilespmem:$0x110], $0xff;
	_ =	sdelay $0x4  }
0xf3: {  	v48 =	vshll.u32 v3, $0x1  }
0xf4: {  	v3 =	vand.u32 $0x7, v3;
	v4 =	vand.u32 $0xFFFFFFF0, v48  }
0xf5: {  	v3 =	vor.u32 v3, v4  }
0xf6: {  	v3 =	vperm.xlane v3, v0;
	_ =	sdelay $0x1  }
0xf7: {  	v3 =	vadd.s32 v1, v3;
	_ =	sdelay $0x3  }
0xf8: {  	s13 =	simm.s32 $0x12880  }
0xf9: {  	[tilespmem:s13], [sflag:$0x7] =	stream.indirect_vreg.gather [hbm4b:s1+s4], $0x80, v3, vm0, $0xb8;
	[tilespmem:$0x1F880] =	vst v63  }
0xfa: {  	v3 =	vld [tilespmem:$0x118];
	_ =	sdelay $0x4  }
0xfb: {  	v49 =	vshll.u32 v3, $0x1  }
0xfc: {  	v3 =	vand.u32 $0x7, v3;
	v4 =	vand.u32 $0xFFFFFFF0, v49  }
0xfd: {  	v3 =	vor.u32 v3, v4  }
0xfe: {  	v4 =	vperm.xlane v3, v0;
	_ =	sdelay $0x1  }
0xff: {  	v3 =	vperm.xlane v3, v2;
	v4 =	vadd.s32 v1, v4;
	_ =	sdelay $0x1  }
0x100: {  	v3 =	vadd.s32 v1, v3;
	_ =	sdelay $0x1  }
0x101: {  	s14 =	simm.s32 $0x13080  }
0x102: {  	[tilespmem:s14], [sflag:$0x8] =	stream.indirect_vreg.gather [hbm4b:s1+s4], $0x80, v4, vm0, $0xb8;
	[tilespmem:$0x1F880] =	vst v63  }
0x103: {  	s15 =	simm.s32 $0x13880  }
0x104: {  	[tilespmem:s15], [sflag:$0x8] =	stream.indirect_vreg.gather [hbm4b:s1+s4], $0x80, v3, vm0, $0xb8;
	[tilespmem:$0x1F880] =	vst v63  }
0x105: {  	v3 =	vld [tilespmem:$0x128];
	_ =	sdelay $0x4  }
0x106: {  	v50 =	vshll.u32 v3, $0x1  }
0x107: {  	v3 =	vand.u32 $0x7, v3;
	v4 =	vand.u32 $0xFFFFFFF0, v50  }
0x108: {  	v3 =	vor.u32 v3, v4  }
0x109: {  	v4 =	vperm.xlane v3, v0;
	_ =	sdelay $0x1  }
0x10a: {  	v3 =	vperm.xlane v3, v2;
	v4 =	vadd.s32 v1, v4;
	_ =	sdelay $0x1  }
0x10b: {  	v3 =	vadd.s32 v1, v3;
	_ =	sdelay $0x1  }
0x10c: {  	s20 =	simm.s32 $0x14080  }
0x10d: {  	[tilespmem:s20], [sflag:$0x8] =	stream.indirect_vreg.gather [hbm4b:s1+s4], $0x80, v4, vm0, $0xb8;
	[tilespmem:$0x1F880] =	vst v63  }
0x10e: {  	s22 =	simm.s32 $0x14880  }
0x10f: {  	[tilespmem:s22], [sflag:$0x8] =	stream.indirect_vreg.gather [hbm4b:s1+s4], $0x80, v3, vm0, $0xb8;
	[tilespmem:$0x1F880] =	vst v63  }
0x110: {  	v3 =	vld.msk [tilespmem:$0x138], $0xff;
	_ =	sdelay $0x4  }
0x111: {  	v51 =	vshll.u32 v3, $0x1  }
0x112: {  	v3 =	vand.u32 $0x7, v3;
	v4 =	vand.u32 $0xFFFFFFF0, v51  }
0x113: {  	v3 =	vor.u32 v3, v4  }
0x114: {  	v3 =	vperm.xlane v3, v0;
	_ =	sdelay $0x1  }
0x115: {  	v3 =	vadd.s32 v1, v3;
	_ =	sdelay $0x3  }
0x116: {  	s11 =	simm.s32 $0x15080  }
0x117: {  	[tilespmem:s11], [sflag:$0x8] =	stream.indirect_vreg.gather [hbm4b:s1+s4], $0x80, v3, vm0, $0xb8;
	[tilespmem:$0x1F880] =	vst v63  }
0x118: {  	v3 =	vld [tilespmem:$0x140];
	_ =	sdelay $0x4  }
0x119: {  	v52 =	vshll.u32 v3, $0x1  }
0x11a: {  	v3 =	vand.u32 $0x7, v3;
	v4 =	vand.u32 $0xFFFFFFF0, v52  }
0x11b: {  	v3 =	vor.u32 v3, v4  }
0x11c: {  	v4 =	vperm.xlane v3, v0;
	_ =	sdelay $0x1  }
0x11d: {  	v3 =	vperm.xlane v3, v2;
	v4 =	vadd.s32 v1, v4;
	_ =	sdelay $0x1  }
0x11e: {  	v3 =	vadd.s32 v1, v3;
	_ =	sdelay $0x1  }
0x11f: {  	s12 =	simm.s32 $0x15880  }
0x120: {  	[tilespmem:s12], [sflag:$0x9] =	stream.indirect_vreg.gather [hbm4b:s1+s4], $0x80, v4, vm0, $0xb8;
	[tilespmem:$0x1F880] =	vst v63  }
0x121: {  	s13 =	simm.s32 $0x16080  }
0x122: {  	[tilespmem:s13], [sflag:$0x9] =	stream.indirect_vreg.gather [hbm4b:s1+s4], $0x80, v3, vm0, $0xb8;
	[tilespmem:$0x1F880] =	vst v63  }
0x123: {  	v3 =	vld [tilespmem:$0x150];
	_ =	sdelay $0x4  }
0x124: {  	v53 =	vshll.u32 v3, $0x1  }
0x125: {  	v3 =	vand.u32 $0x7, v3;
	v4 =	vand.u32 $0xFFFFFFF0, v53  }
0x126: {  	v3 =	vor.u32 v3, v4  }
0x127: {  	v4 =	vperm.xlane v3, v0;
	_ =	sdelay $0x1  }
0x128: {  	v3 =	vperm.xlane v3, v2;
	v4 =	vadd.s32 v1, v4;
	_ =	sdelay $0x1  }
0x129: {  	v3 =	vadd.s32 v1, v3;
	_ =	sdelay $0x1  }
0x12a: {  	s14 =	simm.s32 $0x16880  }
0x12b: {  	[tilespmem:s14], [sflag:$0x9] =	stream.indirect_vreg.gather [hbm4b:s1+s4], $0x80, v4, vm0, $0xb8;
	[tilespmem:$0x1F880] =	vst v63  }
0x12c: {  	s15 =	simm.s32 $0x17080  }
0x12d: {  	[tilespmem:s15], [sflag:$0x9] =	stream.indirect_vreg.gather [hbm4b:s1+s4], $0x80, v3, vm0, $0xb8;
	[tilespmem:$0x1F880] =	vst v63  }
0x12e: {  	v3 =	vld.msk [tilespmem:$0x160], $0xff;
	_ =	sdelay $0x4  }
0x12f: {  	v54 =	vshll.u32 v3, $0x1  }
0x130: {  	v3 =	vand.u32 $0x7, v3;
	v4 =	vand.u32 $0xFFFFFFF0, v54  }
0x131: {  	v3 =	vor.u32 v3, v4  }
0x132: {  	v3 =	vperm.xlane v3, v0;
	_ =	sdelay $0x1  }
0x133: {  	v3 =	vadd.s32 v1, v3;
	_ =	sdelay $0x3  }
0x134: {  	s20 =	simm.s32 $0x17880  }
0x135: {  	[tilespmem:s20], [sflag:$0x9] =	stream.indirect_vreg.gather [hbm4b:s1+s4], $0x80, v3, vm0, $0xb8;
	[tilespmem:$0x1F880] =	vst v63  }
0x136: {  	v3 =	vld [tilespmem:$0x168];
	_ =	sdelay $0x4  }
0x137: {  	v55 =	vshll.u32 v3, $0x1  }
0x138: {  	v3 =	vand.u32 $0x7, v3;
	v4 =	vand.u32 $0xFFFFFFF0, v55  }
0x139: {  	v3 =	vor.u32 v3, v4  }
0x13a: {  	v4 =	vperm.xlane v3, v0;
	_ =	sdelay $0x1  }
0x13b: {  	v3 =	vperm.xlane v3, v2;
	v4 =	vadd.s32 v1, v4;
	_ =	sdelay $0x1  }
0x13c: {  	v3 =	vadd.s32 v1, v3;
	_ =	sdelay $0x1  }
0x13d: {  	s22 =	simm.s32 $0x18080  }
0x13e: {  	[tilespmem:s22], [sflag:$0xA] =	stream.indirect_vreg.gather [hbm4b:s1+s4], $0x80, v4, vm0, $0xb8;
	[tilespmem:$0x1F880] =	vst v63  }
0x13f: {  	s11 =	simm.s32 $0x18880  }
0x140: {  	[tilespmem:s11], [sflag:$0xA] =	stream.indirect_vreg.gather [hbm4b:s1+s4], $0x80, v3, vm0, $0xb8;
	[tilespmem:$0x1F880] =	vst v63  }
0x141: {  	v3 =	vld [tilespmem:$0x178];
	_ =	sdelay $0x4  }
0x142: {  	v56 =	vshll.u32 v3, $0x1  }
0x143: {  	v3 =	vand.u32 $0x7, v3;
	v4 =	vand.u32 $0xFFFFFFF0, v56  }
0x144: {  	v3 =	vor.u32 v3, v4  }
0x145: {  	v4 =	vperm.xlane v3, v0;
	_ =	sdelay $0x1  }
0x146: {  	v3 =	vperm.xlane v3, v2;
	v4 =	vadd.s32 v1, v4;
	_ =	sdelay $0x1  }
0x147: {  	v3 =	vadd.s32 v1, v3;
	_ =	sdelay $0x1  }
0x148: {  	s12 =	simm.s32 $0x19080  }
0x149: {  	[tilespmem:s12], [sflag:$0xA] =	stream.indirect_vreg.gather [hbm4b:s1+s4], $0x80, v4, vm0, $0xb8;
	[tilespmem:$0x1F880] =	vst v63  }
0x14a: {  	s13 =	simm.s32 $0x19880  }
0x14b: {  	[tilespmem:s13], [sflag:$0xA] =	stream.indirect_vreg.gather [hbm4b:s1+s4], $0x80, v3, vm0, $0xb8;
	[tilespmem:$0x1F880] =	vst v63  }
0x14c: {  	v3 =	vld.msk [tilespmem:$0x188], $0xff;
	_ =	sdelay $0x4  }
0x14d: {  	v57 =	vshll.u32 v3, $0x1  }
0x14e: {  	v3 =	vand.u32 $0x7, v3;
	v4 =	vand.u32 $0xFFFFFFF0, v57  }
0x14f: {  	v3 =	vor.u32 v3, v4  }
0x150: {  	v3 =	vperm.xlane v3, v0;
	_ =	sdelay $0x1  }
0x151: {  	v3 =	vadd.s32 v1, v3;
	_ =	sdelay $0x3  }
0x152: {  	s14 =	simm.s32 $0x1A080  }
0x153: {  	[tilespmem:s14], [sflag:$0xA] =	stream.indirect_vreg.gather [hbm4b:s1+s4], $0x80, v3, vm0, $0xb8;
	[tilespmem:$0x1F880] =	vst v63  }
0x154: {  	v3 =	vld [tilespmem:$0x190];
	_ =	sdelay $0x4  }
0x155: {  	v58 =	vshll.u32 v3, $0x1  }
0x156: {  	v3 =	vand.u32 $0x7, v3;
	v4 =	vand.u32 $0xFFFFFFF0, v58  }
0x157: {  	v3 =	vor.u32 v3, v4  }
0x158: {  	v4 =	vperm.xlane v3, v0;
	_ =	sdelay $0x1  }
0x159: {  	v3 =	vperm.xlane v3, v2;
	v4 =	vadd.s32 v1, v4;
	_ =	sdelay $0x1  }
0x15a: {  	v3 =	vadd.s32 v1, v3;
	_ =	sdelay $0x1  }
0x15b: {  	s15 =	simm.s32 $0x1A880  }
0x15c: {  	[tilespmem:s15], [sflag:$0xB] =	stream.indirect_vreg.gather [hbm4b:s1+s4], $0x80, v4, vm0, $0xb8;
	[tilespmem:$0x1F880] =	vst v63  }
0x15d: {  	s20 =	simm.s32 $0x1B080  }
0x15e: {  	[tilespmem:s20], [sflag:$0xB] =	stream.indirect_vreg.gather [hbm4b:s1+s4], $0x80, v3, vm0, $0xb8;
	[tilespmem:$0x1F880] =	vst v63  }
0x15f: {  	v3 =	vld [tilespmem:$0x1A0];
	_ =	sdelay $0x4  }
0x160: {  	v59 =	vshll.u32 v3, $0x1  }
0x161: {  	v3 =	vand.u32 $0x7, v3;
	v4 =	vand.u32 $0xFFFFFFF0, v59  }
0x162: {  	v3 =	vor.u32 v3, v4  }
0x163: {  	v4 =	vperm.xlane v3, v0;
	_ =	sdelay $0x1  }
0x164: {  	v3 =	vperm.xlane v3, v2;
	v4 =	vadd.s32 v1, v4;
	_ =	sdelay $0x1  }
0x165: {  	v3 =	vadd.s32 v1, v3;
	_ =	sdelay $0x1  }
0x166: {  	s22 =	simm.s32 $0x1B880  }
0x167: {  	[tilespmem:s22], [sflag:$0xB] =	stream.indirect_vreg.gather [hbm4b:s1+s4], $0x80, v4, vm0, $0xb8;
	[tilespmem:$0x1F880] =	vst v63  }
0x168: {  	s11 =	simm.s32 $0x1C080  }
0x169: {  	[tilespmem:s11], [sflag:$0xB] =	stream.indirect_vreg.gather [hbm4b:s1+s4], $0x80, v3, vm0, $0xb8;
	[tilespmem:$0x1F880] =	vst v63  }
0x16a: {  	v3 =	vld.msk [tilespmem:$0x1B0], $0xff;
	_ =	sdelay $0x4  }
0x16b: {  	v60 =	vshll.u32 v3, $0x1  }
0x16c: {  	v3 =	vand.u32 $0x7, v3;
	v4 =	vand.u32 $0xFFFFFFF0, v60  }
0x16d: {  	v3 =	vor.u32 v3, v4  }
0x16e: {  	v3 =	vperm.xlane v3, v0;
	_ =	sdelay $0x1  }
0x16f: {  	v3 =	vadd.s32 v1, v3;
	_ =	sdelay $0x3  }
0x170: {  	s12 =	simm.s32 $0x1C880  }
0x171: {  	[tilespmem:s12], [sflag:$0xB] =	stream.indirect_vreg.gather [hbm4b:s1+s4], $0x80, v3, vm0, $0xb8;
	[tilespmem:$0x1F880] =	vst v63  }
0x172: {  	v3 =	vld [tilespmem:$0x1B8];
	_ =	sdelay $0x4  }
0x173: {  	v61 =	vshll.u32 v3, $0x1  }
0x174: {  	v3 =	vand.u32 $0x7, v3;
	v4 =	vand.u32 $0xFFFFFFF0, v61  }
0x175: {  	v3 =	vor.u32 v3, v4  }
0x176: {  	v4 =	vperm.xlane v3, v0;
	_ =	sdelay $0x1  }
0x177: {  	v3 =	vperm.xlane v3, v2;
	v4 =	vadd.s32 v1, v4;
	_ =	sdelay $0x1  }
0x178: {  	v3 =	vadd.s32 v1, v3;
	_ =	sdelay $0x1  }
0x179: {  	s13 =	simm.s32 $0x1D080  }
0x17a: {  	[tilespmem:s13], [sflag:$0xC] =	stream.indirect_vreg.gather [hbm4b:s1+s4], $0x80, v4, vm0, $0xb8;
	[tilespmem:$0x1F880] =	vst v63  }
0x17b: {  	s14 =	simm.s32 $0x1D880  }
0x17c: {  	[tilespmem:s14], [sflag:$0xC] =	stream.indirect_vreg.gather [hbm4b:s1+s4], $0x80, v3, vm0, $0xb8;
	[tilespmem:$0x1F880] =	vst v63  }
0x17d: {  	v3 =	vld [tilespmem:$0x1C8];
	_ =	sdelay $0x4  }
0x17e: {  	v62 =	vshll.u32 v3, $0x1  }
0x17f: {  	v3 =	vand.u32 $0x7, v3;
	v4 =	vand.u32 $0xFFFFFFF0, v62  }
0x180: {  	v3 =	vor.u32 v3, v4  }
0x181: {  	v4 =	vperm.xlane v3, v0;
	_ =	sdelay $0x1  }
0x182: {  	v3 =	vperm.xlane v3, v2;
	v4 =	vadd.s32 v1, v4;
	_ =	sdelay $0x1  }
0x183: {  	v3 =	vadd.s32 v1, v3;
	_ =	sdelay $0x1  }
0x184: {  	s15 =	simm.s32 $0x1E080  }
0x185: {  	[tilespmem:s15], [sflag:$0xC] =	stream.indirect_vreg.gather [hbm4b:s1+s4], $0x80, v4, vm0, $0xb8;
	[tilespmem:$0x1F880] =	vst v63  }
0x186: {  	s20 =	simm.s32 $0x1E880  }
0x187: {  	[tilespmem:s20], [sflag:$0xC] =	stream.indirect_vreg.gather [hbm4b:s1+s4], $0x80, v3, vm0, $0xb8;
	[tilespmem:$0x1F880] =	vst v63  }
0x188: {  	v3 =	vld.msk [tilespmem:$0x1D8], $0xff;
	_ =	sdelay $0x4  }
0x189: {  	v63 =	vshll.u32 v3, $0x1  }
0x18a: {  	v3 =	vand.u32 $0x7, v3;
	v4 =	vand.u32 $0xFFFFFFF0, v63  }
0x18b: {  	v3 =	vor.u32 v3, v4  }
0x18c: {  	v3 =	vperm.xlane v3, v0;
	_ =	sdelay $0x1  }
0x18d: {  	v3 =	vadd.s32 v1, v3  }
.Ltmp2:
0x18e: {  	_ = 	snop;
	(pc) =	sbr.rel .LBB2_2-.Ltmp2, $4  }
0x18f: {  	_ = 	snop  }
0x190: {  	s10 =	simm.s32 $0x1;
	s22 =	simm.s32 $0x1F080;
	s11 =	simm.s32 $0x0  }
0x191: {  	s12 =	simm.s32 $0x0;
	s13 =	simm.s32 $0x0;
	s20 =	simm.s32 $0x3B8  }
0x192: {  	[tilespmem:s22], [sflag:$0xC] =	stream.indirect_vreg.gather [hbm4b:s1+s4], $0x80, v3, vm0, $0xb8;
	[tilespmem:$0x1F880] =	vst v63  }
.LBB2_5:
0x193: {  	p0 =	seq.s32 s11, $0x2F800;
	s15 =	sadd.s32 $0xA0, s13  }
0x194: {  	s15 =	smov.u32 @p0 s7  }
0x195: {  	s19 =	simm.s32 $0x5;
	s15 =	sadd.s32 s5, s15  }
0x196: {  	_ =	swait.ge [sflag:s19], $0x2800;
	s15 =	sshll.u32 s15, $0x5  }
0x197: {  	[sflag:s19] =	ssyncset.done $0x0;
	s15 =	sand.u32 $0xFFFFF00, s15  }
0x198: {  	[sflag:s19] =	ssyncadd.s32 $0xFFFFD800;
	s19 =	simm.s32 $0x11;
	s15 =	sadd.s32 s3, s15  }
0x199: {  	[hbm4b:s15+s4] =	stream.linear.scatter [tilespmem:s21], [sflag:$0x11], $0x2800, $0x38;
	[tilespmem:$0x1F880] =	vst v63  }
0x19a: {  	_ =	swait.ge [sflag:s19], $0x2800  }
0x19b: {  	[sflag:s19] =	ssyncset.done $0x0  }
0x19c: {  	p0 =	sgt.u32 s12, $0xB;
	[sflag:s19] =	ssyncadd.s32 $0xFFFFD800  }
0x19d: {  	v3 =	vld @!p0 [tilespmem:s20+$0xFFFFFEC8];
	_ =	sdelay $0x4  }
0x19e: {  	v4 =	vshll.u32 @!p0 v3, $0x1  }
0x19f: {  	v5 =	vlaneseq.u32 @!p0;
	v3 =	vand.u32 @!p0 $0x7, v3;
	v4 =	vand.u32 @!p0 $0xFFFFFFF0, v4  }
0x1a0: {  	v6 =	vor.u32 @!p0 v3, v4;
	v3 =	vand.u32 @!p0 $0x7, v5;
	v4 =	vshrl.u32 @!p0 v5, $0x3  }
0x1a1: {  	v7 =	vperm.xlane @!p0 v6, v3;
	v4 =	vmul.u32 @!p0 $0x8, v4  }
0x1a2: {  	v5 =	vor.u32 @!p0 $0x8, v5  }
0x1a3: {  	v6 =	vperm.xlane @!p0 v6, v5;
	v7 =	vadd.s32 @!p0 v4, v7;
	_ =	sdelay $0x1  }
0x1a4: {  	v6 =	vadd.s32 @!p0 v4, v6;
	_ =	sdelay $0x1  }
0x1a5: {  	vm1 =	vmmov @!p0 $0xffff;
	s15 =	simm.s32 @!p0 $0x0;
	s19 =	simm.s32 @!p0 $0xB880  }
0x1a6: {  	[tilespmem:s19], [sflag:$0x5] =	stream.indirect_vreg.gather @!p0 [hbm4b:s1+s15], $0x80, v7, vm1, $0xb8;
	[tilespmem:$0x1F880] =	vst v63  }
0x1a7: {  	s19 =	simm.s32 @!p0 $0xC080  }
0x1a8: {  	[tilespmem:s19], [sflag:$0x5] =	stream.indirect_vreg.gather @!p0 [hbm4b:s1+s15], $0x80, v6, vm1, $0xb8;
	[tilespmem:$0x1F880] =	vst v63  }
0x1a9: {  	v6 =	vld @!p0 [tilespmem:s20+$0xFFFFFED8];
	_ =	sdelay $0x4  }
0x1aa: {  	v7 =	vshll.u32 @!p0 v6, $0x1  }
0x1ab: {  	v6 =	vand.u32 @!p0 $0x7, v6;
	v7 =	vand.u32 @!p0 $0xFFFFFFF0, v7  }
0x1ac: {  	v6 =	vor.u32 @!p0 v6, v7  }
0x1ad: {  	v7 =	vperm.xlane @!p0 v6, v3;
	_ =	sdelay $0x1  }
0x1ae: {  	v6 =	vperm.xlane @!p0 v6, v5;
	v7 =	vadd.s32 @!p0 v4, v7;
	_ =	sdelay $0x1  }
0x1af: {  	v6 =	vadd.s32 @!p0 v4, v6;
	_ =	sdelay $0x1  }
0x1b0: {  	s19 =	simm.s32 @!p0 $0xC880  }
0x1b1: {  	[tilespmem:s19], [sflag:$0x5] =	stream.indirect_vreg.gather @!p0 [hbm4b:s1+s15], $0x80, v7, vm1, $0xb8;
	[tilespmem:$0x1F880] =	vst v63  }
0x1b2: {  	s19 =	simm.s32 @!p0 $0xD080  }
0x1b3: {  	[tilespmem:s19], [sflag:$0x5] =	stream.indirect_vreg.gather @!p0 [hbm4b:s1+s15], $0x80, v6, vm1, $0xb8;
	[tilespmem:$0x1F880] =	vst v63  }
0x1b4: {  	v6 =	vld.msk @!p0 [tilespmem:s20+$0xFFFFFEE8], $0xff;
	_ =	sdelay $0x4  }
0x1b5: {  	v7 =	vshll.u32 @!p0 v6, $0x1  }
0x1b6: {  	v6 =	vand.u32 @!p0 $0x7, v6;
	v7 =	vand.u32 @!p0 $0xFFFFFFF0, v7  }
0x1b7: {  	v6 =	vor.u32 @!p0 v6, v7  }
0x1b8: {  	v6 =	vperm.xlane @!p0 v6, v3;
	_ =	sdelay $0x1  }
0x1b9: {  	v6 =	vadd.s32 @!p0 v4, v6;
	_ =	sdelay $0x3  }
0x1ba: {  	s19 =	simm.s32 @!p0 $0xD880  }
0x1bb: {  	[tilespmem:s19], [sflag:$0x5] =	stream.indirect_vreg.gather @!p0 [hbm4b:s1+s15], $0x80, v6, vm1, $0xb8;
	[tilespmem:$0x1F880] =	vst v63  }
0x1bc: {  	_ =	swait.ge [sflag:s23], $0x2800  }
0x1bd: {  	[sflag:s23] =	ssyncset.done $0x0;
	s22 =	rddreg [dreg:$0x7]  }
0x1be: {  	[sflag:s23] =	ssyncadd.s32 $0xFFFFD800;
	s19 =	sadd.s32 s11, s22;
	s22 =	simm.s32 $0xE080  }
0x1bf: {  	[hbm4b:s19+s4] =	stream.linear.scatter [tilespmem:s22], [sflag:$0x12], $0x2800, $0x38;
	[tilespmem:$0x1F880] =	vst v63  }
0x1c0: {  	_ =	swait.ge [sflag:s0], $0x2800  }
0x1c1: {  	[sflag:s0] =	ssyncset.done $0x0  }
0x1c2: {  	[sflag:s0] =	ssyncadd.s32 $0xFFFFD800  }
0x1c3: {  	v6 =	vld @!p0 [tilespmem:s20+$0xFFFFFEF0];
	_ =	sdelay $0x4  }
0x1c4: {  	v7 =	vshll.u32 @!p0 v6, $0x1  }
0x1c5: {  	v6 =	vand.u32 @!p0 $0x7, v6;
	v7 =	vand.u32 @!p0 $0xFFFFFFF0, v7  }
0x1c6: {  	v6 =	vor.u32 @!p0 v6, v7  }
0x1c7: {  	v7 =	vperm.xlane @!p0 v6, v3;
	_ =	sdelay $0x1  }
0x1c8: {  	v6 =	vperm.xlane @!p0 v6, v5;
	v7 =	vadd.s32 @!p0 v4, v7;
	_ =	sdelay $0x1  }
0x1c9: {  	v6 =	vadd.s32 @!p0 v4, v6;
	_ =	sdelay $0x1  }
0x1ca: {  	s19 =	simm.s32 @!p0 $0xE080  }
0x1cb: {  	[tilespmem:s19], [sflag:$0x6] =	stream.indirect_vreg.gather @!p0 [hbm4b:s1+s15], $0x80, v7, vm1, $0xb8;
	[tilespmem:$0x1F880] =	vst v63  }
0x1cc: {  	s19 =	simm.s32 @!p0 $0xE880  }
0x1cd: {  	[tilespmem:s19], [sflag:$0x6] =	stream.indirect_vreg.gather @!p0 [hbm4b:s1+s15], $0x80, v6, vm1, $0xb8;
	[tilespmem:$0x1F880] =	vst v63  }
0x1ce: {  	v6 =	vld @!p0 [tilespmem:s20+$0xFFFFFF00];
	_ =	sdelay $0x4  }
0x1cf: {  	v7 =	vshll.u32 @!p0 v6, $0x1  }
0x1d0: {  	v6 =	vand.u32 @!p0 $0x7, v6;
	v7 =	vand.u32 @!p0 $0xFFFFFFF0, v7  }
0x1d1: {  	v6 =	vor.u32 @!p0 v6, v7  }
0x1d2: {  	v7 =	vperm.xlane @!p0 v6, v3;
	_ =	sdelay $0x1  }
0x1d3: {  	v6 =	vperm.xlane @!p0 v6, v5;
	v7 =	vadd.s32 @!p0 v4, v7;
	_ =	sdelay $0x1  }
0x1d4: {  	v6 =	vadd.s32 @!p0 v4, v6;
	_ =	sdelay $0x1  }
0x1d5: {  	s19 =	simm.s32 @!p0 $0xF080  }
0x1d6: {  	[tilespmem:s19], [sflag:$0x6] =	stream.indirect_vreg.gather @!p0 [hbm4b:s1+s15], $0x80, v7, vm1, $0xb8;
	[tilespmem:$0x1F880] =	vst v63  }
0x1d7: {  	s19 =	simm.s32 @!p0 $0xF880  }
0x1d8: {  	[tilespmem:s19], [sflag:$0x6] =	stream.indirect_vreg.gather @!p0 [hbm4b:s1+s15], $0x80, v6, vm1, $0xb8;
	[tilespmem:$0x1F880] =	vst v63  }
0x1d9: {  	v6 =	vld.msk @!p0 [tilespmem:s20+$0xFFFFFF10], $0xff;
	_ =	sdelay $0x4  }
0x1da: {  	v7 =	vshll.u32 @!p0 v6, $0x1  }
0x1db: {  	v6 =	vand.u32 @!p0 $0x7, v6;
	v7 =	vand.u32 @!p0 $0xFFFFFFF0, v7  }
0x1dc: {  	v6 =	vor.u32 @!p0 v6, v7  }
0x1dd: {  	v6 =	vperm.xlane @!p0 v6, v3;
	_ =	sdelay $0x1  }
0x1de: {  	v6 =	vadd.s32 @!p0 v4, v6;
	_ =	sdelay $0x3  }
0x1df: {  	s19 =	simm.s32 @!p0 $0x10080  }
0x1e0: {  	[tilespmem:s19], [sflag:$0x6] =	stream.indirect_vreg.gather @!p0 [hbm4b:s1+s15], $0x80, v6, vm1, $0xb8;
	[tilespmem:$0x1F880] =	vst v63  }
0x1e1: {  	_ =	swait.ge [sflag:s2], $0x2800  }
0x1e2: {  	[sflag:s2] =	ssyncset.done $0x0;
	s22 =	rddreg [dreg:$0x8]  }
0x1e3: {  	[sflag:s2] =	ssyncadd.s32 $0xFFFFD800;
	s19 =	sadd.s32 s11, s22;
	s22 =	simm.s32 $0x10880  }
0x1e4: {  	[hbm4b:s19+s4] =	stream.linear.scatter [tilespmem:s22], [sflag:$0x13], $0x2800, $0x38;
	[tilespmem:$0x1F880] =	vst v63  }
0x1e5: {  	_ =	swait.ge [sflag:s25], $0x2800  }
0x1e6: {  	[sflag:s25] =	ssyncset.done $0x0  }
0x1e7: {  	[sflag:s25] =	ssyncadd.s32 $0xFFFFD800  }
0x1e8: {  	v6 =	vld @!p0 [tilespmem:s20+$0xFFFFFF18];
	_ =	sdelay $0x4  }
0x1e9: {  	v7 =	vshll.u32 @!p0 v6, $0x1  }
0x1ea: {  	v6 =	vand.u32 @!p0 $0x7, v6;
	v7 =	vand.u32 @!p0 $0xFFFFFFF0, v7  }
0x1eb: {  	v6 =	vor.u32 @!p0 v6, v7  }
0x1ec: {  	v7 =	vperm.xlane @!p0 v6, v3;
	_ =	sdelay $0x1  }
0x1ed: {  	v6 =	vperm.xlane @!p0 v6, v5;
	v7 =	vadd.s32 @!p0 v4, v7;
	_ =	sdelay $0x1  }
0x1ee: {  	v6 =	vadd.s32 @!p0 v4, v6;
	_ =	sdelay $0x1  }
0x1ef: {  	s19 =	simm.s32 @!p0 $0x10880  }
0x1f0: {  	[tilespmem:s19], [sflag:$0x7] =	stream.indirect_vreg.gather @!p0 [hbm4b:s1+s15], $0x80, v7, vm1, $0xb8;
	[tilespmem:$0x1F880] =	vst v63  }
0x1f1: {  	s19 =	simm.s32 @!p0 $0x11080  }
0x1f2: {  	[tilespmem:s19], [sflag:$0x7] =	stream.indirect_vreg.gather @!p0 [hbm4b:s1+s15], $0x80, v6, vm1, $0xb8;
	[tilespmem:$0x1F880] =	vst v63  }
0x1f3: {  	v6 =	vld @!p0 [tilespmem:s20+$0xFFFFFF28];
	_ =	sdelay $0x4  }
0x1f4: {  	v7 =	vshll.u32 @!p0 v6, $0x1  }
0x1f5: {  	v6 =	vand.u32 @!p0 $0x7, v6;
	v7 =	vand.u32 @!p0 $0xFFFFFFF0, v7  }
0x1f6: {  	v6 =	vor.u32 @!p0 v6, v7  }
0x1f7: {  	v7 =	vperm.xlane @!p0 v6, v3;
	_ =	sdelay $0x1  }
0x1f8: {  	v6 =	vperm.xlane @!p0 v6, v5;
	v7 =	vadd.s32 @!p0 v4, v7;
	_ =	sdelay $0x1  }
0x1f9: {  	v6 =	vadd.s32 @!p0 v4, v6;
	_ =	sdelay $0x1  }
0x1fa: {  	s19 =	simm.s32 @!p0 $0x11880  }
0x1fb: {  	[tilespmem:s19], [sflag:$0x7] =	stream.indirect_vreg.gather @!p0 [hbm4b:s1+s15], $0x80, v7, vm1, $0xb8;
	[tilespmem:$0x1F880] =	vst v63  }
0x1fc: {  	s19 =	simm.s32 @!p0 $0x12080  }
0x1fd: {  	[tilespmem:s19], [sflag:$0x7] =	stream.indirect_vreg.gather @!p0 [hbm4b:s1+s15], $0x80, v6, vm1, $0xb8;
	[tilespmem:$0x1F880] =	vst v63  }
0x1fe: {  	v6 =	vld.msk @!p0 [tilespmem:s20+$0xFFFFFF38], $0xff;
	_ =	sdelay $0x4  }
0x1ff: {  	v7 =	vshll.u32 @!p0 v6, $0x1  }
0x200: {  	v6 =	vand.u32 @!p0 $0x7, v6;
	v7 =	vand.u32 @!p0 $0xFFFFFFF0, v7  }
0x201: {  	v6 =	vor.u32 @!p0 v6, v7  }
0x202: {  	v6 =	vperm.xlane @!p0 v6, v3;
	_ =	sdelay $0x1  }
0x203: {  	v6 =	vadd.s32 @!p0 v4, v6;
	_ =	sdelay $0x3  }
0x204: {  	s19 =	simm.s32 @!p0 $0x12880  }
0x205: {  	[tilespmem:s19], [sflag:$0x7] =	stream.indirect_vreg.gather @!p0 [hbm4b:s1+s15], $0x80, v6, vm1, $0xb8;
	[tilespmem:$0x1F880] =	vst v63  }
0x206: {  	_ =	swait.ge [sflag:s29], $0x2800  }
0x207: {  	[sflag:s29] =	ssyncset.done $0x0;
	s22 =	rddreg [dreg:$0x9]  }
0x208: {  	[sflag:s29] =	ssyncadd.s32 $0xFFFFD800;
	s19 =	sadd.s32 s11, s22;
	s22 =	simm.s32 $0x13080  }
0x209: {  	[hbm4b:s19+s4] =	stream.linear.scatter [tilespmem:s22], [sflag:$0x14], $0x2800, $0x38;
	[tilespmem:$0x1F880] =	vst v63  }
0x20a: {  	_ =	swait.ge [sflag:s31], $0x2800  }
0x20b: {  	[sflag:s31] =	ssyncset.done $0x0  }
0x20c: {  	[sflag:s31] =	ssyncadd.s32 $0xFFFFD800  }
0x20d: {  	v6 =	vld @!p0 [tilespmem:s20+$0xFFFFFF40];
	_ =	sdelay $0x4  }
0x20e: {  	v7 =	vshll.u32 @!p0 v6, $0x1  }
0x20f: {  	v6 =	vand.u32 @!p0 $0x7, v6;
	v7 =	vand.u32 @!p0 $0xFFFFFFF0, v7  }
0x210: {  	v6 =	vor.u32 @!p0 v6, v7  }
0x211: {  	v7 =	vperm.xlane @!p0 v6, v3;
	_ =	sdelay $0x1  }
0x212: {  	v6 =	vperm.xlane @!p0 v6, v5;
	v7 =	vadd.s32 @!p0 v4, v7;
	_ =	sdelay $0x1  }
0x213: {  	v6 =	vadd.s32 @!p0 v4, v6;
	_ =	sdelay $0x1  }
0x214: {  	s19 =	simm.s32 @!p0 $0x13080  }
0x215: {  	[tilespmem:s19], [sflag:$0x8] =	stream.indirect_vreg.gather @!p0 [hbm4b:s1+s15], $0x80, v7, vm1, $0xb8;
	[tilespmem:$0x1F880] =	vst v63  }
0x216: {  	s19 =	simm.s32 @!p0 $0x13880  }
0x217: {  	[tilespmem:s19], [sflag:$0x8] =	stream.indirect_vreg.gather @!p0 [hbm4b:s1+s15], $0x80, v6, vm1, $0xb8;
	[tilespmem:$0x1F880] =	vst v63  }
0x218: {  	v6 =	vld @!p0 [tilespmem:s20+$0xFFFFFF50];
	_ =	sdelay $0x4  }
0x219: {  	v7 =	vshll.u32 @!p0 v6, $0x1  }
0x21a: {  	v6 =	vand.u32 @!p0 $0x7, v6;
	v7 =	vand.u32 @!p0 $0xFFFFFFF0, v7  }
0x21b: {  	v6 =	vor.u32 @!p0 v6, v7  }
0x21c: {  	v7 =	vperm.xlane @!p0 v6, v3;
	_ =	sdelay $0x1  }
0x21d: {  	v6 =	vperm.xlane @!p0 v6, v5;
	v7 =	vadd.s32 @!p0 v4, v7;
	_ =	sdelay $0x1  }
0x21e: {  	v6 =	vadd.s32 @!p0 v4, v6;
	_ =	sdelay $0x1  }
0x21f: {  	s19 =	simm.s32 @!p0 $0x14080  }
0x220: {  	[tilespmem:s19], [sflag:$0x8] =	stream.indirect_vreg.gather @!p0 [hbm4b:s1+s15], $0x80, v7, vm1, $0xb8;
	[tilespmem:$0x1F880] =	vst v63  }
0x221: {  	s19 =	simm.s32 @!p0 $0x14880  }
0x222: {  	[tilespmem:s19], [sflag:$0x8] =	stream.indirect_vreg.gather @!p0 [hbm4b:s1+s15], $0x80, v6, vm1, $0xb8;
	[tilespmem:$0x1F880] =	vst v63  }
0x223: {  	v6 =	vld.msk @!p0 [tilespmem:s20+$0xFFFFFF60], $0xff;
	_ =	sdelay $0x4  }
0x224: {  	v7 =	vshll.u32 @!p0 v6, $0x1  }
0x225: {  	v6 =	vand.u32 @!p0 $0x7, v6;
	v7 =	vand.u32 @!p0 $0xFFFFFFF0, v7  }
0x226: {  	v6 =	vor.u32 @!p0 v6, v7  }
0x227: {  	v6 =	vperm.xlane @!p0 v6, v3;
	_ =	sdelay $0x1  }
0x228: {  	v6 =	vadd.s32 @!p0 v4, v6;
	_ =	sdelay $0x1  }
0x229: {  	p1 =	seq.s32 s11, $0x2E400;
	s13 =	sadd.s32 $0x140, s13  }
0x22a: {  	s13 =	smov.u32 @p1 s7  }
0x22b: {  	s13 =	sadd.s32 s5, s13;
	s19 =	simm.s32 @!p0 $0x15080  }
0x22c: {  	[tilespmem:s19], [sflag:$0x8] =	stream.indirect_vreg.gather @!p0 [hbm4b:s1+s15], $0x80, v6, vm1, $0xb8;
	[tilespmem:$0x1F880] =	vst v63  }
0x22d: {  	s13 =	sshll.u32 s13, $0x5;
	_ =	swait.ge [sflag:s28], $0x2800  }
0x22e: {  	s13 =	sand.u32 $0xFFFFF00, s13;
	[sflag:s28] =	ssyncset.done $0x0  }
0x22f: {  	s13 =	sadd.s32 s3, s13;
	s22 =	simm.s32 $0x15880;
	[sflag:s28] =	ssyncadd.s32 $0xFFFFD800  }
0x230: {  	[hbm4b:s13+s4] =	stream.linear.scatter [tilespmem:s22], [sflag:$0x15], $0x2800, $0x38;
	[tilespmem:$0x1F880] =	vst v63  }
0x231: {  	_ =	swait.ge [sflag:s6], $0x2800  }
0x232: {  	[sflag:s6] =	ssyncset.done $0x0  }
0x233: {  	[sflag:s6] =	ssyncadd.s32 $0xFFFFD800  }
0x234: {  	v6 =	vld @!p0 [tilespmem:s20+$0xFFFFFF68];
	_ =	sdelay $0x4  }
0x235: {  	v7 =	vshll.u32 @!p0 v6, $0x1  }
0x236: {  	v6 =	vand.u32 @!p0 $0x7, v6;
	v7 =	vand.u32 @!p0 $0xFFFFFFF0, v7  }
0x237: {  	v6 =	vor.u32 @!p0 v6, v7  }
0x238: {  	v7 =	vperm.xlane @!p0 v6, v3;
	_ =	sdelay $0x1  }
0x239: {  	v6 =	vperm.xlane @!p0 v6, v5;
	v7 =	vadd.s32 @!p0 v4, v7;
	_ =	sdelay $0x1  }
0x23a: {  	v6 =	vadd.s32 @!p0 v4, v6;
	_ =	sdelay $0x1  }
0x23b: {  	s13 =	simm.s32 @!p0 $0x15880  }
0x23c: {  	[tilespmem:s13], [sflag:$0x9] =	stream.indirect_vreg.gather @!p0 [hbm4b:s1+s15], $0x80, v7, vm1, $0xb8;
	[tilespmem:$0x1F880] =	vst v63  }
0x23d: {  	s13 =	simm.s32 @!p0 $0x16080  }
0x23e: {  	[tilespmem:s13], [sflag:$0x9] =	stream.indirect_vreg.gather @!p0 [hbm4b:s1+s15], $0x80, v6, vm1, $0xb8;
	[tilespmem:$0x1F880] =	vst v63  }
0x23f: {  	v6 =	vld @!p0 [tilespmem:s20+$0xFFFFFF78];
	_ =	sdelay $0x4  }
0x240: {  	v7 =	vshll.u32 @!p0 v6, $0x1  }
0x241: {  	v6 =	vand.u32 @!p0 $0x7, v6;
	v7 =	vand.u32 @!p0 $0xFFFFFFF0, v7  }
0x242: {  	v6 =	vor.u32 @!p0 v6, v7  }
0x243: {  	v7 =	vperm.xlane @!p0 v6, v3;
	_ =	sdelay $0x1  }
0x244: {  	v6 =	vperm.xlane @!p0 v6, v5;
	v7 =	vadd.s32 @!p0 v4, v7;
	_ =	sdelay $0x1  }
0x245: {  	v6 =	vadd.s32 @!p0 v4, v6;
	_ =	sdelay $0x1  }
0x246: {  	s13 =	simm.s32 @!p0 $0x16880  }
0x247: {  	[tilespmem:s13], [sflag:$0x9] =	stream.indirect_vreg.gather @!p0 [hbm4b:s1+s15], $0x80, v7, vm1, $0xb8;
	[tilespmem:$0x1F880] =	vst v63  }
0x248: {  	s13 =	simm.s32 @!p0 $0x17080  }
0x249: {  	[tilespmem:s13], [sflag:$0x9] =	stream.indirect_vreg.gather @!p0 [hbm4b:s1+s15], $0x80, v6, vm1, $0xb8;
	[tilespmem:$0x1F880] =	vst v63  }
0x24a: {  	v6 =	vld.msk @!p0 [tilespmem:s20+$0xFFFFFF88], $0xff;
	_ =	sdelay $0x4  }
0x24b: {  	v7 =	vshll.u32 @!p0 v6, $0x1  }
0x24c: {  	v6 =	vand.u32 @!p0 $0x7, v6;
	v7 =	vand.u32 @!p0 $0xFFFFFFF0, v7  }
0x24d: {  	v6 =	vor.u32 @!p0 v6, v7  }
0x24e: {  	v6 =	vperm.xlane @!p0 v6, v3;
	_ =	sdelay $0x1  }
0x24f: {  	v6 =	vadd.s32 @!p0 v4, v6;
	_ =	sdelay $0x3  }
0x250: {  	s13 =	simm.s32 @!p0 $0x17880  }
0x251: {  	[tilespmem:s13], [sflag:$0x9] =	stream.indirect_vreg.gather @!p0 [hbm4b:s1+s15], $0x80, v6, vm1, $0xb8;
	[tilespmem:$0x1F880] =	vst v63  }
0x252: {  	_ =	swait.ge [sflag:s8], $0x2800  }
0x253: {  	[sflag:s8] =	ssyncset.done $0x0;
	s19 =	rddreg [dreg:$0xa]  }
0x254: {  	s22 =	simm.s32 $0x18080;
	[sflag:s8] =	ssyncadd.s32 $0xFFFFD800;
	s13 =	sadd.s32 s11, s19  }
0x255: {  	[hbm4b:s13+s4] =	stream.linear.scatter [tilespmem:s22], [sflag:$0x16], $0x2800, $0x38;
	[tilespmem:$0x1F880] =	vst v63  }
0x256: {  	_ =	swait.ge [sflag:s30], $0x2800  }
0x257: {  	[sflag:s30] =	ssyncset.done $0x0  }
0x258: {  	[sflag:s30] =	ssyncadd.s32 $0xFFFFD800  }
0x259: {  	v6 =	vld @!p0 [tilespmem:s20+$0xFFFFFF90];
	_ =	sdelay $0x4  }
0x25a: {  	v7 =	vshll.u32 @!p0 v6, $0x1  }
0x25b: {  	v6 =	vand.u32 @!p0 $0x7, v6;
	v7 =	vand.u32 @!p0 $0xFFFFFFF0, v7  }
0x25c: {  	v6 =	vor.u32 @!p0 v6, v7  }
0x25d: {  	v7 =	vperm.xlane @!p0 v6, v3;
	_ =	sdelay $0x1  }
0x25e: {  	v6 =	vperm.xlane @!p0 v6, v5;
	v7 =	vadd.s32 @!p0 v4, v7;
	_ =	sdelay $0x1  }
0x25f: {  	v6 =	vadd.s32 @!p0 v4, v6;
	_ =	sdelay $0x1  }
0x260: {  	s13 =	simm.s32 @!p0 $0x18080  }
0x261: {  	[tilespmem:s13], [sflag:$0xA] =	stream.indirect_vreg.gather @!p0 [hbm4b:s1+s15], $0x80, v7, vm1, $0xb8;
	[tilespmem:$0x1F880] =	vst v63  }
0x262: {  	s13 =	simm.s32 @!p0 $0x18880  }
0x263: {  	[tilespmem:s13], [sflag:$0xA] =	stream.indirect_vreg.gather @!p0 [hbm4b:s1+s15], $0x80, v6, vm1, $0xb8;
	[tilespmem:$0x1F880] =	vst v63  }
0x264: {  	v6 =	vld @!p0 [tilespmem:s20+$0xFFFFFFA0];
	_ =	sdelay $0x4  }
0x265: {  	v7 =	vshll.u32 @!p0 v6, $0x1  }
0x266: {  	v6 =	vand.u32 @!p0 $0x7, v6;
	v7 =	vand.u32 @!p0 $0xFFFFFFF0, v7  }
0x267: {  	v6 =	vor.u32 @!p0 v6, v7  }
0x268: {  	v7 =	vperm.xlane @!p0 v6, v3;
	_ =	sdelay $0x1  }
0x269: {  	v6 =	vperm.xlane @!p0 v6, v5;
	v7 =	vadd.s32 @!p0 v4, v7;
	_ =	sdelay $0x1  }
0x26a: {  	v6 =	vadd.s32 @!p0 v4, v6;
	_ =	sdelay $0x1  }
0x26b: {  	s13 =	simm.s32 @!p0 $0x19080  }
0x26c: {  	[tilespmem:s13], [sflag:$0xA] =	stream.indirect_vreg.gather @!p0 [hbm4b:s1+s15], $0x80, v7, vm1, $0xb8;
	[tilespmem:$0x1F880] =	vst v63  }
0x26d: {  	s13 =	simm.s32 @!p0 $0x19880  }
0x26e: {  	[tilespmem:s13], [sflag:$0xA] =	stream.indirect_vreg.gather @!p0 [hbm4b:s1+s15], $0x80, v6, vm1, $0xb8;
	[tilespmem:$0x1F880] =	vst v63  }
0x26f: {  	v6 =	vld.msk @!p0 [tilespmem:s20+$0xFFFFFFB0], $0xff;
	_ =	sdelay $0x4  }
0x270: {  	v7 =	vshll.u32 @!p0 v6, $0x1  }
0x271: {  	v6 =	vand.u32 @!p0 $0x7, v6;
	v7 =	vand.u32 @!p0 $0xFFFFFFF0, v7  }
0x272: {  	v6 =	vor.u32 @!p0 v6, v7  }
0x273: {  	v6 =	vperm.xlane @!p0 v6, v3;
	_ =	sdelay $0x1  }
0x274: {  	v6 =	vadd.s32 @!p0 v4, v6;
	_ =	sdelay $0x3  }
0x275: {  	s13 =	simm.s32 @!p0 $0x1A080  }
0x276: {  	[tilespmem:s13], [sflag:$0xA] =	stream.indirect_vreg.gather @!p0 [hbm4b:s1+s15], $0x80, v6, vm1, $0xb8;
	[tilespmem:$0x1F880] =	vst v63  }
0x277: {  	_ =	swait.ge [sflag:s26], $0x2800  }
0x278: {  	[sflag:s26] =	ssyncset.done $0x0;
	s19 =	rddreg [dreg:$0xb]  }
0x279: {  	s22 =	simm.s32 $0x1A880;
	[sflag:s26] =	ssyncadd.s32 $0xFFFFD800;
	s13 =	sadd.s32 s11, s19  }
0x27a: {  	[hbm4b:s13+s4] =	stream.linear.scatter [tilespmem:s22], [sflag:$0x17], $0x2800, $0x38;
	[tilespmem:$0x1F880] =	vst v63  }
0x27b: {  	_ =	swait.ge [sflag:s9], $0x2800  }
0x27c: {  	[sflag:s9] =	ssyncset.done $0x0  }
0x27d: {  	[sflag:s9] =	ssyncadd.s32 $0xFFFFD800  }
0x27e: {  	v6 =	vld @!p0 [tilespmem:s20+$0xFFFFFFB8];
	_ =	sdelay $0x4  }
0x27f: {  	v7 =	vshll.u32 @!p0 v6, $0x1  }
0x280: {  	v6 =	vand.u32 @!p0 $0x7, v6;
	v7 =	vand.u32 @!p0 $0xFFFFFFF0, v7  }
0x281: {  	v6 =	vor.u32 @!p0 v6, v7  }
0x282: {  	v7 =	vperm.xlane @!p0 v6, v3;
	_ =	sdelay $0x1  }
0x283: {  	v6 =	vperm.xlane @!p0 v6, v5;
	v7 =	vadd.s32 @!p0 v4, v7;
	_ =	sdelay $0x1  }
0x284: {  	v6 =	vadd.s32 @!p0 v4, v6;
	_ =	sdelay $0x1  }
0x285: {  	s13 =	simm.s32 @!p0 $0x1A880  }
0x286: {  	[tilespmem:s13], [sflag:$0xB] =	stream.indirect_vreg.gather @!p0 [hbm4b:s1+s15], $0x80, v7, vm1, $0xb8;
	[tilespmem:$0x1F880] =	vst v63  }
0x287: {  	s13 =	simm.s32 @!p0 $0x1B080  }
0x288: {  	[tilespmem:s13], [sflag:$0xB] =	stream.indirect_vreg.gather @!p0 [hbm4b:s1+s15], $0x80, v6, vm1, $0xb8;
	[tilespmem:$0x1F880] =	vst v63  }
0x289: {  	v6 =	vld @!p0 [tilespmem:s20+$0xFFFFFFC8];
	_ =	sdelay $0x4  }
0x28a: {  	v7 =	vshll.u32 @!p0 v6, $0x1  }
0x28b: {  	v6 =	vand.u32 @!p0 $0x7, v6;
	v7 =	vand.u32 @!p0 $0xFFFFFFF0, v7  }
0x28c: {  	v6 =	vor.u32 @!p0 v6, v7  }
0x28d: {  	v7 =	vperm.xlane @!p0 v6, v3;
	_ =	sdelay $0x1  }
0x28e: {  	v6 =	vperm.xlane @!p0 v6, v5;
	v7 =	vadd.s32 @!p0 v4, v7;
	_ =	sdelay $0x1  }
0x28f: {  	v6 =	vadd.s32 @!p0 v4, v6;
	_ =	sdelay $0x1  }
0x290: {  	s13 =	simm.s32 @!p0 $0x1B880  }
0x291: {  	[tilespmem:s13], [sflag:$0xB] =	stream.indirect_vreg.gather @!p0 [hbm4b:s1+s15], $0x80, v7, vm1, $0xb8;
	[tilespmem:$0x1F880] =	vst v63  }
0x292: {  	s13 =	simm.s32 @!p0 $0x1C080  }
0x293: {  	[tilespmem:s13], [sflag:$0xB] =	stream.indirect_vreg.gather @!p0 [hbm4b:s1+s15], $0x80, v6, vm1, $0xb8;
	[tilespmem:$0x1F880] =	vst v63  }
0x294: {  	v6 =	vld.msk @!p0 [tilespmem:s20+$0xFFFFFFD8], $0xff;
	_ =	sdelay $0x4  }
0x295: {  	v7 =	vshll.u32 @!p0 v6, $0x1  }
0x296: {  	v6 =	vand.u32 @!p0 $0x7, v6;
	v7 =	vand.u32 @!p0 $0xFFFFFFF0, v7  }
0x297: {  	v6 =	vor.u32 @!p0 v6, v7  }
0x298: {  	v6 =	vperm.xlane @!p0 v6, v3;
	_ =	sdelay $0x1  }
0x299: {  	v6 =	vadd.s32 @!p0 v4, v6;
	_ =	sdelay $0x3  }
0x29a: {  	s13 =	simm.s32 @!p0 $0x1C880  }
0x29b: {  	[tilespmem:s13], [sflag:$0xB] =	stream.indirect_vreg.gather @!p0 [hbm4b:s1+s15], $0x80, v6, vm1, $0xb8;
	[tilespmem:$0x1F880] =	vst v63  }
0x29c: {  	_ =	swait.ge [sflag:s16], $0x2800  }
0x29d: {  	[sflag:s16] =	ssyncset.done $0x0;
	s19 =	rddreg [dreg:$0xc]  }
0x29e: {  	s22 =	simm.s32 $0x1D080;
	[sflag:s16] =	ssyncadd.s32 $0xFFFFD800;
	s13 =	sadd.s32 s11, s19  }
0x29f: {  	[hbm4b:s13+s4] =	stream.linear.scatter [tilespmem:s22], [sflag:$0x18], $0x2800, $0x38;
	[tilespmem:$0x1F880] =	vst v63  }
0x2a0: {  	_ =	swait.ge [sflag:s17], $0x2800  }
0x2a1: {  	[sflag:s17] =	ssyncset.done $0x0  }
0x2a2: {  	[sflag:s17] =	ssyncadd.s32 $0xFFFFD800  }
0x2a3: {  	v6 =	vld @!p0 [tilespmem:s20+$0xFFFFFFE0];
	_ =	sdelay $0x4  }
0x2a4: {  	v7 =	vshll.u32 @!p0 v6, $0x1  }
0x2a5: {  	v6 =	vand.u32 @!p0 $0x7, v6;
	v7 =	vand.u32 @!p0 $0xFFFFFFF0, v7  }
0x2a6: {  	v6 =	vor.u32 @!p0 v6, v7  }
0x2a7: {  	v7 =	vperm.xlane @!p0 v6, v3;
	_ =	sdelay $0x1  }
0x2a8: {  	v6 =	vperm.xlane @!p0 v6, v5;
	v7 =	vadd.s32 @!p0 v4, v7;
	_ =	sdelay $0x1  }
0x2a9: {  	v6 =	vadd.s32 @!p0 v4, v6;
	_ =	sdelay $0x1  }
0x2aa: {  	s13 =	simm.s32 @!p0 $0x1D080  }
0x2ab: {  	[tilespmem:s13], [sflag:$0xC] =	stream.indirect_vreg.gather @!p0 [hbm4b:s1+s15], $0x80, v7, vm1, $0xb8;
	[tilespmem:$0x1F880] =	vst v63  }
0x2ac: {  	s13 =	simm.s32 @!p0 $0x1D880  }
0x2ad: {  	[tilespmem:s13], [sflag:$0xC] =	stream.indirect_vreg.gather @!p0 [hbm4b:s1+s15], $0x80, v6, vm1, $0xb8;
	[tilespmem:$0x1F880] =	vst v63  }
0x2ae: {  	v6 =	vld @!p0 [tilespmem:s20+$0xFFFFFFF0];
	_ =	sdelay $0x4  }
0x2af: {  	v7 =	vshll.u32 @!p0 v6, $0x1  }
0x2b0: {  	v6 =	vand.u32 @!p0 $0x7, v6;
	v7 =	vand.u32 @!p0 $0xFFFFFFF0, v7  }
0x2b1: {  	v6 =	vor.u32 @!p0 v6, v7  }
0x2b2: {  	v7 =	vperm.xlane @!p0 v6, v3;
	_ =	sdelay $0x1  }
0x2b3: {  	v5 =	vperm.xlane @!p0 v6, v5;
	v7 =	vadd.s32 @!p0 v4, v7;
	_ =	sdelay $0x1  }
0x2b4: {  	v5 =	vadd.s32 @!p0 v4, v5;
	_ =	sdelay $0x1  }
0x2b5: {  	s13 =	simm.s32 @!p0 $0x1E080  }
0x2b6: {  	[tilespmem:s13], [sflag:$0xC] =	stream.indirect_vreg.gather @!p0 [hbm4b:s1+s15], $0x80, v7, vm1, $0xb8;
	[tilespmem:$0x1F880] =	vst v63  }
0x2b7: {  	s13 =	simm.s32 @!p0 $0x1E880  }
0x2b8: {  	[tilespmem:s13], [sflag:$0xC] =	stream.indirect_vreg.gather @!p0 [hbm4b:s1+s15], $0x80, v5, vm1, $0xb8;
	[tilespmem:$0x1F880] =	vst v63  }
0x2b9: {  	v5 =	vld.msk @!p0 [tilespmem:s20+$0x0], $0xff;
	_ =	sdelay $0x4  }
0x2ba: {  	v6 =	vshll.u32 @!p0 v5, $0x1  }
0x2bb: {  	v5 =	vand.u32 @!p0 $0x7, v5;
	v6 =	vand.u32 @!p0 $0xFFFFFFF0, v6  }
0x2bc: {  	v5 =	vor.u32 @!p0 v5, v6  }
0x2bd: {  	v3 =	vperm.xlane @!p0 v5, v3;
	_ =	sdelay $0x1  }
0x2be: {  	v3 =	vadd.s32 @!p0 v4, v3;
	_ =	sdelay $0x3  }
0x2bf: {  	s11 =	sadd.s32 $0x3C00, s11;
	s13 =	simm.s32 @!p0 $0x1F080  }
0x2c0: {  	[tilespmem:s13], [sflag:$0xC] =	stream.indirect_vreg.gather @!p0 [hbm4b:s1+s15], $0x80, v3, vm1, $0xb8;
	[tilespmem:$0x1F880] =	vst v63  }
0x2c1: {  	p0 =	sne.s32 s11, $0x34800  }
.Ltmp3:
0x2c2: {  	_ = 	snop;
	(pc) =	sbr.rel @!p0 .LBB2_6-.Ltmp3, $3  }
0x2c3: {  	_ =	sdelay $0x1  }
0x2c4: {  	s10 =	sadd.s32 $0xC, s10;
	s12 =	sadd.s32 $0x1, s12  }
0x2c5: {  	s19 =	simm.s32 $0x1880;
	s20 =	sadd.s32 $0x1E0, s20;
	s13 =	smov.u32 s14  }
.LBB2_2:
0x2c6: {  	p0 =	seq.s32 s11, $0x30C00;
	s14 =	smov.u32 s13  }
0x2c7: {  	s14 =	smov.u32 @p0 s7  }
0x2c8: {  	s14 =	sadd.s32 s5, s14  }
0x2c9: {  	_ =	swait.ge [sflag:s18], $0x2800;
	s14 =	sshll.u32 s14, $0x5  }
0x2ca: {  	[sflag:s18] =	ssyncset.done $0x0;
	s14 =	sand.u32 $0xFFFFF00, s14  }
.Ltmp4:
0x2cb: {  	[sflag:s18] =	ssyncadd.s32 $0xFFFFD800;
	s14 =	sadd.s32 s3, s14;
	(pc) =	sbr.rel @p0 .LBB2_6-.Ltmp4, $4  }
0x2cc: {  	[hbm4b:s14+s4] =	stream.linear.scatter [tilespmem:s19], [sflag:$0xD], $0x2800, $0x38;
	[tilespmem:$0x1F880] =	vst v63  }
0x2cd: {  	_ =	swait.ge [sflag:s24], $0x2800  }
0x2ce: {  	[sflag:s24] =	ssyncset.done $0x0  }
0x2cf: {  	[sflag:s24] =	ssyncadd.s32 $0xFFFFD800  }
0x2d0: {  	s14 =	sadd.s32 $0x1E0, s13  }
0x2d1: {  	p0 =	seq.s32 s11, $0x2D000;
	s15 =	smov.u32 s14  }
0x2d2: {  	s15 =	smov.u32 @p0 s7  }
0x2d3: {  	v3 =	vld [tilespmem:s15+$0x0];
	_ =	sdelay $0x4  }
0x2d4: {  	v4 =	vshll.u32 v3, $0x1  }
0x2d5: {  	v3 =	vand.u32 $0x7, v3;
	v4 =	vand.u32 $0xFFFFFFF0, v4  }
0x2d6: {  	v3 =	vor.u32 v3, v4  }
0x2d7: {  	v4 =	vperm.xlane v3, v0;
	_ =	sdelay $0x1  }
0x2d8: {  	v3 =	vperm.xlane v3, v2;
	v4 =	vadd.s32 v1, v4;
	_ =	sdelay $0x1  }
0x2d9: {  	v3 =	vadd.s32 v1, v3;
	_ =	sdelay $0x2  }
0x2da: {  	[tilespmem:s19], [sflag:$0x1] =	stream.indirect_vreg.gather [hbm4b:s1+s4], $0x80, v4, vm0, $0xb8;
	[tilespmem:$0x1F880] =	vst v63  }
0x2db: {  	s22 =	simm.s32 $0x2080  }
0x2dc: {  	[tilespmem:s22], [sflag:$0x1] =	stream.indirect_vreg.gather [hbm4b:s1+s4], $0x80, v3, vm0, $0xb8;
	[tilespmem:$0x1F880] =	vst v63  }
0x2dd: {  	v3 =	vld [tilespmem:s15+$0x10];
	_ =	sdelay $0x4  }
0x2de: {  	v62 =	vshll.u32 v3, $0x1  }
0x2df: {  	v3 =	vand.u32 $0x7, v3;
	v4 =	vand.u32 $0xFFFFFFF0, v62  }
0x2e0: {  	v3 =	vor.u32 v3, v4  }
0x2e1: {  	v4 =	vperm.xlane v3, v0;
	_ =	sdelay $0x1  }
0x2e2: {  	v3 =	vperm.xlane v3, v2;
	v4 =	vadd.s32 v1, v4;
	_ =	sdelay $0x1  }
0x2e3: {  	v3 =	vadd.s32 v1, v3;
	_ =	sdelay $0x1  }
0x2e4: {  	s22 =	simm.s32 $0x2880  }
0x2e5: {  	[tilespmem:s22], [sflag:$0x1] =	stream.indirect_vreg.gather [hbm4b:s1+s4], $0x80, v4, vm0, $0xb8;
	[tilespmem:$0x1F880] =	vst v63  }
0x2e6: {  	s22 =	simm.s32 $0x3080  }
0x2e7: {  	[tilespmem:s22], [sflag:$0x1] =	stream.indirect_vreg.gather [hbm4b:s1+s4], $0x80, v3, vm0, $0xb8;
	[tilespmem:$0x1F880] =	vst v63  }
0x2e8: {  	v3 =	vld.msk [tilespmem:s15+$0x20], $0xff;
	_ =	sdelay $0x4  }
0x2e9: {  	v63 =	vshll.u32 v3, $0x1  }
0x2ea: {  	v3 =	vand.u32 $0x7, v3;
	v4 =	vand.u32 $0xFFFFFFF0, v63  }
0x2eb: {  	v3 =	vor.u32 v3, v4  }
0x2ec: {  	v3 =	vperm.xlane v3, v0;
	_ =	sdelay $0x1  }
0x2ed: {  	p0 =	sgt.u32 s10, $0x9C;
	v3 =	vadd.s32 v1, v3  }
.Ltmp5:
0x2ee: {  	_ = 	snop;
	(pc) =	sbr.rel @p0 .LBB2_5-.Ltmp5, $3  }
0x2ef: {  	_ =	sdelay $0x1  }
0x2f0: {  	s22 =	simm.s32 $0x3880  }
0x2f1: {  	[tilespmem:s22], [sflag:$0x1] =	stream.indirect_vreg.gather [hbm4b:s1+s4], $0x80, v3, vm0, $0xb8;
	[tilespmem:$0x1F880] =	vst v63  }
0x2f2: {  	s15 =	simm.s32 $0x2  }
0x2f3: {  	_ =	swait.ge [sflag:s15], $0x2800  }
0x2f4: {  	s21 =	simm.s32 $0xE;
	[sflag:s15] =	ssyncset.done $0x0;
	s19 =	rddreg [dreg:$0x6]  }
0x2f5: {  	[sflag:s15] =	ssyncadd.s32 $0xFFFFD800;
	s15 =	sadd.s32 s11, s19;
	s19 =	simm.s32 $0x4080  }
0x2f6: {  	[hbm4b:s15+s4] =	stream.linear.scatter [tilespmem:s19], [sflag:$0xE], $0x2800, $0x38;
	[tilespmem:$0x1F880] =	vst v63  }
0x2f7: {  	_ =	swait.ge [sflag:s21], $0x2800  }
0x2f8: {  	[sflag:s21] =	ssyncset.done $0x0  }
0x2f9: {  	p0 =	sgt.u32 s12, $0xB;
	[sflag:s21] =	ssyncadd.s32 $0xFFFFD800  }
0x2fa: {  	v3 =	vld @!p0 [tilespmem:s20+$0xFFFFFE50];
	_ =	sdelay $0x4  }
0x2fb: {  	v4 =	vshll.u32 @!p0 v3, $0x1  }
0x2fc: {  	v5 =	vlaneseq.u32 @!p0;
	v3 =	vand.u32 @!p0 $0x7, v3;
	v4 =	vand.u32 @!p0 $0xFFFFFFF0, v4  }
0x2fd: {  	v6 =	vshrl.u32 @!p0 v5, $0x3;
	v3 =	vor.u32 @!p0 v3, v4;
	v4 =	vand.u32 @!p0 $0x7, v5  }
0x2fe: {  	v6 =	vmul.u32 @!p0 $0x8, v6;
	v7 =	vperm.xlane @!p0 v3, v4  }
0x2ff: {  	v5 =	vor.u32 @!p0 $0x8, v5  }
0x300: {  	v3 =	vperm.xlane @!p0 v3, v5;
	v7 =	vadd.s32 @!p0 v6, v7;
	_ =	sdelay $0x1  }
0x301: {  	v3 =	vadd.s32 @!p0 v6, v3;
	_ =	sdelay $0x1  }
0x302: {  	vm1 =	vmmov @!p0 $0xffff;
	s15 =	simm.s32 @!p0 $0x0;
	s19 =	simm.s32 @!p0 $0x4080  }
0x303: {  	[tilespmem:s19], [sflag:$0x2] =	stream.indirect_vreg.gather @!p0 [hbm4b:s1+s15], $0x80, v7, vm1, $0xb8;
	[tilespmem:$0x1F880] =	vst v63  }
0x304: {  	s19 =	simm.s32 @!p0 $0x4880  }
0x305: {  	[tilespmem:s19], [sflag:$0x2] =	stream.indirect_vreg.gather @!p0 [hbm4b:s1+s15], $0x80, v3, vm1, $0xb8;
	[tilespmem:$0x1F880] =	vst v63  }
0x306: {  	v3 =	vld @!p0 [tilespmem:s20+$0xFFFFFE60];
	_ =	sdelay $0x4  }
0x307: {  	v7 =	vshll.u32 @!p0 v3, $0x1  }
0x308: {  	v3 =	vand.u32 @!p0 $0x7, v3;
	v7 =	vand.u32 @!p0 $0xFFFFFFF0, v7  }
0x309: {  	v3 =	vor.u32 @!p0 v3, v7  }
0x30a: {  	v7 =	vperm.xlane @!p0 v3, v4;
	_ =	sdelay $0x1  }
0x30b: {  	v3 =	vperm.xlane @!p0 v3, v5;
	v7 =	vadd.s32 @!p0 v6, v7;
	_ =	sdelay $0x1  }
0x30c: {  	v3 =	vadd.s32 @!p0 v6, v3;
	_ =	sdelay $0x1  }
0x30d: {  	s19 =	simm.s32 @!p0 $0x5080  }
0x30e: {  	[tilespmem:s19], [sflag:$0x2] =	stream.indirect_vreg.gather @!p0 [hbm4b:s1+s15], $0x80, v7, vm1, $0xb8;
	[tilespmem:$0x1F880] =	vst v63  }
0x30f: {  	s19 =	simm.s32 @!p0 $0x5880  }
0x310: {  	[tilespmem:s19], [sflag:$0x2] =	stream.indirect_vreg.gather @!p0 [hbm4b:s1+s15], $0x80, v3, vm1, $0xb8;
	[tilespmem:$0x1F880] =	vst v63  }
0x311: {  	v3 =	vld.msk @!p0 [tilespmem:s20+$0xFFFFFE70], $0xff;
	_ =	sdelay $0x4  }
0x312: {  	v7 =	vshll.u32 @!p0 v3, $0x1  }
0x313: {  	v3 =	vand.u32 @!p0 $0x7, v3;
	v7 =	vand.u32 @!p0 $0xFFFFFFF0, v7  }
0x314: {  	v3 =	vor.u32 @!p0 v3, v7  }
0x315: {  	v3 =	vperm.xlane @!p0 v3, v4;
	_ =	sdelay $0x1  }
0x316: {  	v3 =	vadd.s32 @!p0 v6, v3;
	_ =	sdelay $0x3  }
0x317: {  	s22 =	simm.s32 $0x3;
	s19 =	simm.s32 @!p0 $0x6080  }
0x318: {  	[tilespmem:s19], [sflag:$0x2] =	stream.indirect_vreg.gather @!p0 [hbm4b:s1+s15], $0x80, v3, vm1, $0xb8;
	[tilespmem:$0x1F880] =	vst v63  }
0x319: {  	_ =	swait.ge [sflag:s22], $0x2800  }
0x31a: {  	[sflag:s22] =	ssyncset.done $0x0  }
0x31b: {  	s21 =	rddreg [dreg:$0xd];
	[sflag:s22] =	ssyncadd.s32 $0xFFFFD800  }
0x31c: {  	s19 =	sadd.s32 s11, s21;
	s21 =	smov.u32 s3;
	s22 =	simm.s32 $0x6880  }
0x31d: {  	[hbm4b:s19+s4] =	stream.linear.scatter [tilespmem:s22], [sflag:$0xF], $0x2800, $0x38;
	[tilespmem:$0x1F880] =	vst v63  }
0x31e: {  	s3 =	smov.u32 s21;
	s21 =	simm.s32 $0xF  }
0x31f: {  	_ =	swait.ge [sflag:s21], $0x2800  }
0x320: {  	[sflag:s21] =	ssyncset.done $0x0  }
0x321: {  	[sflag:s21] =	ssyncadd.s32 $0xFFFFD800  }
0x322: {  	v3 =	vld @!p0 [tilespmem:s20+$0xFFFFFE78];
	_ =	sdelay $0x4  }
0x323: {  	v7 =	vshll.u32 @!p0 v3, $0x1  }
0x324: {  	v3 =	vand.u32 @!p0 $0x7, v3;
	v7 =	vand.u32 @!p0 $0xFFFFFFF0, v7  }
0x325: {  	v3 =	vor.u32 @!p0 v3, v7  }
0x326: {  	v7 =	vperm.xlane @!p0 v3, v4;
	_ =	sdelay $0x1  }
0x327: {  	v3 =	vperm.xlane @!p0 v3, v5;
	v7 =	vadd.s32 @!p0 v6, v7;
	_ =	sdelay $0x1  }
0x328: {  	v3 =	vadd.s32 @!p0 v6, v3;
	_ =	sdelay $0x1  }
0x329: {  	s19 =	simm.s32 @!p0 $0x6880  }
0x32a: {  	[tilespmem:s19], [sflag:$0x3] =	stream.indirect_vreg.gather @!p0 [hbm4b:s1+s15], $0x80, v7, vm1, $0xb8;
	[tilespmem:$0x1F880] =	vst v63  }
0x32b: {  	s19 =	simm.s32 @!p0 $0x7080  }
0x32c: {  	[tilespmem:s19], [sflag:$0x3] =	stream.indirect_vreg.gather @!p0 [hbm4b:s1+s15], $0x80, v3, vm1, $0xb8;
	[tilespmem:$0x1F880] =	vst v63  }
0x32d: {  	v3 =	vld @!p0 [tilespmem:s20+$0xFFFFFE88];
	_ =	sdelay $0x4  }
0x32e: {  	v7 =	vshll.u32 @!p0 v3, $0x1  }
0x32f: {  	v3 =	vand.u32 @!p0 $0x7, v3;
	v7 =	vand.u32 @!p0 $0xFFFFFFF0, v7  }
0x330: {  	v3 =	vor.u32 @!p0 v3, v7  }
0x331: {  	v7 =	vperm.xlane @!p0 v3, v4;
	_ =	sdelay $0x1  }
0x332: {  	v3 =	vperm.xlane @!p0 v3, v5;
	v7 =	vadd.s32 @!p0 v6, v7;
	_ =	sdelay $0x1  }
0x333: {  	v3 =	vadd.s32 @!p0 v6, v3;
	_ =	sdelay $0x1  }
0x334: {  	s19 =	simm.s32 @!p0 $0x7880  }
0x335: {  	[tilespmem:s19], [sflag:$0x3] =	stream.indirect_vreg.gather @!p0 [hbm4b:s1+s15], $0x80, v7, vm1, $0xb8;
	[tilespmem:$0x1F880] =	vst v63  }
0x336: {  	s19 =	simm.s32 @!p0 $0x8080  }
0x337: {  	[tilespmem:s19], [sflag:$0x3] =	stream.indirect_vreg.gather @!p0 [hbm4b:s1+s15], $0x80, v3, vm1, $0xb8;
	[tilespmem:$0x1F880] =	vst v63  }
0x338: {  	v3 =	vld.msk @!p0 [tilespmem:s20+$0xFFFFFE98], $0xff;
	_ =	sdelay $0x4  }
0x339: {  	v7 =	vshll.u32 @!p0 v3, $0x1  }
0x33a: {  	v3 =	vand.u32 @!p0 $0x7, v3;
	v7 =	vand.u32 @!p0 $0xFFFFFFF0, v7  }
0x33b: {  	v3 =	vor.u32 @!p0 v3, v7  }
0x33c: {  	v3 =	vperm.xlane @!p0 v3, v4;
	_ =	sdelay $0x1  }
0x33d: {  	v3 =	vadd.s32 @!p0 v6, v3;
	_ =	sdelay $0x3  }
0x33e: {  	s22 =	simm.s32 $0x4;
	s19 =	simm.s32 @!p0 $0x8880  }
0x33f: {  	[tilespmem:s19], [sflag:$0x3] =	stream.indirect_vreg.gather @!p0 [hbm4b:s1+s15], $0x80, v3, vm1, $0xb8;
	[tilespmem:$0x1F880] =	vst v63  }
0x340: {  	_ =	swait.ge [sflag:s22], $0x2800  }
0x341: {  	[sflag:s22] =	ssyncset.done $0x0;
	s21 =	rddreg [dreg:$0xe]  }
0x342: {  	[sflag:s22] =	ssyncadd.s32 $0xFFFFD800;
	s19 =	sadd.s32 s11, s21;
	s22 =	simm.s32 $0x9080  }
0x343: {  	[hbm4b:s19+s4] =	stream.linear.scatter [tilespmem:s22], [sflag:$0x10], $0x2800, $0x38;
	[tilespmem:$0x1F880] =	vst v63  }
0x344: {  	s22 =	simm.s32 $0x10  }
0x345: {  	_ =	swait.ge [sflag:s22], $0x2800  }
0x346: {  	[sflag:s22] =	ssyncset.done $0x0  }
0x347: {  	[sflag:s22] =	ssyncadd.s32 $0xFFFFD800  }
0x348: {  	v3 =	vld @!p0 [tilespmem:s20+$0xFFFFFEA0];
	_ =	sdelay $0x4  }
0x349: {  	v7 =	vshll.u32 @!p0 v3, $0x1  }
0x34a: {  	v3 =	vand.u32 @!p0 $0x7, v3;
	v7 =	vand.u32 @!p0 $0xFFFFFFF0, v7  }
0x34b: {  	v3 =	vor.u32 @!p0 v3, v7  }
0x34c: {  	v7 =	vperm.xlane @!p0 v3, v4;
	_ =	sdelay $0x1  }
0x34d: {  	v3 =	vperm.xlane @!p0 v3, v5;
	v7 =	vadd.s32 @!p0 v6, v7;
	_ =	sdelay $0x1  }
0x34e: {  	v3 =	vadd.s32 @!p0 v6, v3;
	_ =	sdelay $0x1  }
0x34f: {  	s19 =	simm.s32 @!p0 $0x9080  }
0x350: {  	[tilespmem:s19], [sflag:$0x4] =	stream.indirect_vreg.gather @!p0 [hbm4b:s1+s15], $0x80, v7, vm1, $0xb8;
	[tilespmem:$0x1F880] =	vst v63  }
0x351: {  	s19 =	simm.s32 @!p0 $0x9880  }
0x352: {  	[tilespmem:s19], [sflag:$0x4] =	stream.indirect_vreg.gather @!p0 [hbm4b:s1+s15], $0x80, v3, vm1, $0xb8;
	[tilespmem:$0x1F880] =	vst v63  }
0x353: {  	v3 =	vld @!p0 [tilespmem:s20+$0xFFFFFEB0];
	_ =	sdelay $0x4  }
0x354: {  	v7 =	vshll.u32 @!p0 v3, $0x1  }
0x355: {  	v3 =	vand.u32 @!p0 $0x7, v3;
	v7 =	vand.u32 @!p0 $0xFFFFFFF0, v7  }
0x356: {  	v3 =	vor.u32 @!p0 v3, v7  }
0x357: {  	v7 =	vperm.xlane @!p0 v3, v4;
	_ =	sdelay $0x1  }
0x358: {  	v3 =	vperm.xlane @!p0 v3, v5;
	v7 =	vadd.s32 @!p0 v6, v7;
	_ =	sdelay $0x1  }
0x359: {  	v3 =	vadd.s32 @!p0 v6, v3;
	_ =	sdelay $0x1  }
0x35a: {  	s19 =	simm.s32 @!p0 $0xA080  }
0x35b: {  	[tilespmem:s19], [sflag:$0x4] =	stream.indirect_vreg.gather @!p0 [hbm4b:s1+s15], $0x80, v7, vm1, $0xb8;
	[tilespmem:$0x1F880] =	vst v63  }
0x35c: {  	s19 =	simm.s32 @!p0 $0xA880  }
0x35d: {  	[tilespmem:s19], [sflag:$0x4] =	stream.indirect_vreg.gather @!p0 [hbm4b:s1+s15], $0x80, v3, vm1, $0xb8;
	[tilespmem:$0x1F880] =	vst v63  }
0x35e: {  	v3 =	vld.msk @!p0 [tilespmem:s20+$0xFFFFFEC0], $0xff;
	_ =	sdelay $0x4  }
0x35f: {  	v5 =	vshll.u32 @!p0 v3, $0x1  }
0x360: {  	v3 =	vand.u32 @!p0 $0x7, v3;
	v5 =	vand.u32 @!p0 $0xFFFFFFF0, v5  }
0x361: {  	v3 =	vor.u32 @!p0 v3, v5  }
0x362: {  	v3 =	vperm.xlane @!p0 v3, v4;
	_ =	sdelay $0x1  }
0x363: {  	v3 =	vadd.s32 @!p0 v6, v3  }
.Ltmp6:
0x364: {  	_ = 	snop;
	(pc) =	sbr.rel .LBB2_5-.Ltmp6, $3  }
0x365: {  	_ =	sdelay $0x1  }
0x366: {  	s21 =	simm.s32 $0xB880;
	s19 =	simm.s32 @!p0 $0xB080  }
0x367: {  	[tilespmem:s19], [sflag:$0x4] =	stream.indirect_vreg.gather @!p0 [hbm4b:s1+s15], $0x80, v3, vm1, $0xb8;
	[tilespmem:$0x1F880] =	vst v63  }
.LBB2_7:
0x368: {  	_ =	sfence.sel $0x180000  }
0x369: {  	[bflag:$0x0] =	sbarrier.arrive $0xFFFF  }
0x36a: {  	_ =	strace $0x90000047  }
0x36b: {  	s0 =	stileid.u32;
	[bflag:$0x2] =	sbarrier.arrive $0xFFFF  }
0x36c: {  	p0 =	sne.s32 s0, $0x0;
	s0 =	rddreg [dreg:$0x3]  }
0x36d: {  	s0 =	sadd.s32 @!p0 $0x100000, s0  }
0x36e: {  	[sflag:s0] =	ssyncadd.tile.s32 @!p0 $0x1;
	_ =	shalt  }
.Lfunc_end2:
_tile_overlayer_lowered:
.L_overlay_start_2:
0x36f: {  	(tag) =	ssettag $0x2  }
0x370: {  	s0 =	rddreg [dreg:$0x0];
	s2 =	stileid.u32  }
0x371: {  	s1 =	rddreg [dreg:$0x1];
	p0 =	sne.s32 s2, $0x0  }
0x372: {  	s3 =	rddreg [dreg:$0x2];
	[bflag:$0x3] =	sbarrier.arrive $0xFFFF;
	s2 =	simm.s32 @!p0 $0x1C19  }
0x373: {  	[timem:s3], [sflag:s2] =	dma.local @!p0 [hbm:s0], s1  }
0x374: {  	s0 =	simm.s32 @!p0 $0x19  }
0x375: {  	_ =	swait.ge @!p0 [sflag:s0], s1  }
0x376: {  	s1 =	ssub.s32 @!p0 $0x0, s1;
	[sflag:s0] =	ssyncset.done @!p0 $0x0  }
0x377: {  	[sflag:s0] =	ssyncadd.s32 @!p0 s1  }
0x378: {  	[bflag:$0x3] =	sbarrier.arrive $0xFFFF  }
0x379: {  	_ =	shalt  }

</sc_bundles>
